<compile_context>
chip_gen: v7x
topology: tpu7x:2x2x1
jax: 0.10.2.dev20260603
libtpu: 0.0.44.dev20260713+nightly
codegen_flags: <defaults>
</compile_context>

<pallas_src>
import numpy as np
import jax
import jax.numpy as jnp
from jax.experimental import pallas as pl

B = 4
HIDDEN = 256
NPROP = 1024
SAMPLE = 4000
MAXNN = 20
KQ = 10
R2 = np.float32(np.float64(0.2) ** 2)
R2_BITS = int(R2.view(np.int32))
MAXF_BITS = int(np.float32(np.finfo(np.float32).max).view(np.int32))

BLKR = 200
QBLK = 256
GAP_TAU = np.float32(0.01)
EIGH_CAP = 3584


def _mlp_kernel(x_ref, w1_ref, b1_ref, g1_ref, be1_ref,
                w2_ref, b2_ref, g2_ref, be2_ref,
                wq_ref, bq_ref, wc_ref, bc_ref, ws_ref, bs_ref, base_ref,
                ctr_ref, sz_ref, qs_ref):
    x = x_ref[...]
    h = jnp.dot(w1_ref[...], x, preferred_element_type=jnp.float32) + b1_ref[...]
    m = jnp.mean(h, axis=1, keepdims=True)
    v = jnp.mean((h - m) ** 2, axis=1, keepdims=True)
    h = (h - m) / jnp.sqrt(v + 1e-5) * g1_ref[...] + be1_ref[...]
    h = jnp.maximum(h, 0.0)
    h2 = jnp.dot(w2_ref[...], h, preferred_element_type=jnp.float32) + b2_ref[...]
    m2 = jnp.mean(h2, axis=1, keepdims=True)
    v2 = jnp.mean((h2 - m2) ** 2, axis=1, keepdims=True)
    h2 = (h2 - m2) / jnp.sqrt(v2 + 1e-5) * g2_ref[...] + be2_ref[...]
    h2 = jnp.maximum(h2, 0.0)
    qs_ref[...] = jnp.dot(wq_ref[...], h2, preferred_element_type=jnp.float32) + bq_ref[...]
    ctr_ref[...] = (jnp.dot(wc_ref[...], h2, preferred_element_type=jnp.float32)
                    + bc_ref[...] + base_ref[...])
    sz_ref[...] = jnp.dot(ws_ref[...], h2, preferred_element_type=jnp.float32) + bs_ref[...]


def _kth_thresh_bits(d2i, k, hi0, iters):
    hi0 = jnp.full((d2i.shape[0], 1), hi0, dtype=jnp.int32)
    lo0 = jnp.full_like(hi0, -1)

    def body(_, lohi):
        lo, hi = lohi
        mid = lo + (hi - lo) // 2
        cnt = jnp.sum((d2i <= mid).astype(jnp.float32), axis=1, keepdims=True)
        ge = cnt >= k
        return jnp.where(ge, lo, mid), jnp.where(ge, mid, hi)

    _, hi = jax.lax.fori_loop(0, iters, body, (lo0, hi0))
    return hi


def _jacobi_rot(app, aqq, apq, arp, arq, cols):
    safe = apq != 0.0
    denom = jnp.where(safe, 2.0 * apq, 1.0)
    tau = (aqq - app) / denom
    sg = jnp.where(tau >= 0.0, 1.0, -1.0)
    t = jnp.where(safe, sg / (jnp.abs(tau) + jnp.sqrt(1.0 + tau * tau)), 0.0)
    c = 1.0 / jnp.sqrt(1.0 + t * t)
    s = t * c
    app2 = app - t * apq
    aqq2 = aqq + t * apq
    arp2 = c * arp - s * arq
    arq2 = s * arp + c * arq
    new_cols = []
    for vp, vq in cols:
        new_cols.append((c * vp - s * vq, s * vp + c * vq))
    return app2, aqq2, arp2, arq2, new_cols


def _jacobi3_smallest(a00, a01, a02, a11, a12, a22):
    one = jnp.ones_like(a00)
    zero = jnp.zeros_like(a00)
    v00, v01, v02 = one, zero, zero
    v10, v11, v12 = zero, one, zero
    v20, v21, v22 = zero, zero, one
    for _ in range(4):
        a00, a11, a02, a12, cols = _jacobi_rot(
            a00, a11, a01, a02, a12, [(v00, v01), (v10, v11), (v20, v21)])
        (v00, v01), (v10, v11), (v20, v21) = cols
        a01 = zero
        a00, a22, a01, a12, cols = _jacobi_rot(
            a00, a22, a02, a01, a12, [(v00, v02), (v10, v12), (v20, v22)])
        (v00, v02), (v10, v12), (v20, v22) = cols
        a02 = zero
        a11, a22, a01, a02, cols = _jacobi_rot(
            a11, a22, a12, a01, a02, [(v01, v02), (v11, v12), (v21, v22)])
        (v01, v02), (v11, v12), (v21, v22) = cols
        a12 = zero
    d0, d1, d2 = a00, a11, a22
    c0 = (d0 <= d1) & (d0 <= d2)
    c1 = jnp.logical_not(c0) & (d1 <= d2)
    vx = jnp.where(c0, v00, jnp.where(c1, v01, v02))
    vy = jnp.where(c0, v10, jnp.where(c1, v11, v12))
    vz = jnp.where(c0, v20, jnp.where(c1, v21, v22))
    lmin = jnp.where(c0, d0, jnp.where(c1, d1, d2))
    lmax = jnp.maximum(d0, jnp.maximum(d1, d2))
    lmid = (d0 + d1 + d2) - lmin - lmax
    gap = (lmid - lmin) / jnp.maximum(jnp.abs(lmax), jnp.float32(1e-30))
    return vx, vy, vz, gap


def _stats_kernel(pct_ref, pcr_ref, out_ref):
    px = pct_ref[0, 0:1, :]
    py = pct_ref[0, 1:2, :]
    pz = pct_ref[0, 2:3, :]
    qx = pcr_ref[0, :, 0:1]
    qy = pcr_ref[0, :, 1:2]
    qz = pcr_ref[0, :, 2:3]
    dx = qx - px
    dy = qy - py
    dz = qz - pz
    d2 = (dx * dx + dy * dy) + dz * dz
    d2i = jax.lax.bitcast_convert_type(d2, jnp.int32)
    thr = _kth_thresh_bits(d2i, float(MAXNN), R2_BITS, 30)
    mask = d2i <= thr
    cnt = jnp.sum(mask.astype(jnp.float32), axis=1, keepdims=True)
    s1x = jnp.sum(jnp.where(mask, px, 0.0), axis=1, keepdims=True)
    s1y = jnp.sum(jnp.where(mask, py, 0.0), axis=1, keepdims=True)
    s1z = jnp.sum(jnp.where(mask, pz, 0.0), axis=1, keepdims=True)
    mux = s1x / cnt
    muy = s1y / cnt
    muz = s1z / cnt
    ax = px - mux
    ay = py - muy
    az = pz - muz
    axb = ax.astype(jnp.bfloat16).astype(jnp.float32)
    ayb = ay.astype(jnp.bfloat16).astype(jnp.float32)
    azb = az.astype(jnp.bfloat16).astype(jnp.float32)

    def cov_entry(a, b):
        p = a * b
        return jnp.sum(jnp.where(mask, p, 0.0), axis=1, keepdims=True) / cnt

    cxx = cov_entry(axb, axb)
    cxy = cov_entry(axb, ayb)
    cxz = cov_entry(axb, azb)
    cyy = cov_entry(ayb, ayb)
    cyz = cov_entry(ayb, azb)
    czz = cov_entry(azb, azb)
    vx, vy, vz, gap = _jacobi3_smallest(cxx, cxy, cxz, cyy, cyz, czz)
    is2 = (cnt > 1.5) & (cnt < 2.5)
    hard = is2 | ((cnt > 2.5) & (gap < GAP_TAU))
    flag = hard.astype(jnp.float32)
    out_ref[0] = jnp.concatenate(
        [cxx, cxy, cxz, cyy, cyz, czz, vx, vy, vz, flag], axis=1)


def _combine_kernel(pct_ref, nt_ref, qc_ref, out_ref):
    px = pct_ref[0, 0:1, :]
    py = pct_ref[0, 1:2, :]
    pz = pct_ref[0, 2:3, :]
    cx = jnp.sum(px) / float(SAMPLE)
    cy = jnp.sum(py) / float(SAMPLE)
    cz = jnp.sum(pz) / float(SAMPLE)
    nx0 = nt_ref[0, 0:1, :]
    ny0 = nt_ref[0, 1:2, :]
    nz0 = nt_ref[0, 2:3, :]
    dot = ((px - cx) * nx0 + (py - cy) * ny0) + (pz - cz) * nz0
    rev = dot < 0.0
    nx = jnp.where(rev, nx0, -nx0)
    ny = jnp.where(rev, ny0, -ny0)
    nz = jnp.where(rev, nz0, -nz0)
    qx = qc_ref[0, :, 0:1]
    qy = qc_ref[0, :, 1:2]
    qz = qc_ref[0, :, 2:3]
    dx = qx - px
    dy = qy - py
    dz = qz - pz
    d2 = (dx * dx + dy * dy) + dz * dz
    d2i = jax.lax.bitcast_convert_type(d2, jnp.int32)
    thr = _kth_thresh_bits(d2i, float(KQ), MAXF_BITS, 31)
    mask = (d2i <= thr).astype(jnp.float32)
    nmat = jnp.concatenate([nx, ny, nz], axis=0)
    sel = jax.lax.dot_general(mask, nmat, (((1,), (1,)), ((), ())),
                              preferred_element_type=jnp.float32)
    sel = sel / float(KQ)
    sx = sel[:, 0:1]
    sy = sel[:, 1:2]
    nrm = jnp.sqrt(sx * sx + sy * sy)
    ox = sx / nrm
    oy = sy / nrm
    oz = jnp.zeros_like(sx) / nrm
    res = jnp.concatenate([ox, oy, oz], axis=1)
    res = jnp.where(jnp.isnan(res), jnp.float32(1e-6), res)
    out_ref[0] = res


def kernel(net, base_xyz, point_clouds, quad_center,
           W1, b1, g1, beta1, W2, b2, g2, beta2, Wq, bq, Wc, bc, Ws, bs):
    f32 = jnp.float32
    L = B * NPROP
    xT = jnp.transpose(net, (1, 0, 2)).reshape(HIDDEN, L)
    baseT = jnp.transpose(base_xyz, (2, 0, 1)).reshape(3, L)
    ctrT, szT, qsT = pl.pallas_call(
        _mlp_kernel,
        out_shape=[jax.ShapeDtypeStruct((3, L), f32),
                   jax.ShapeDtypeStruct((2, L), f32),
                   jax.ShapeDtypeStruct((2, L), f32)],
    )(xT, W1, b1.reshape(-1, 1), g1.reshape(-1, 1), beta1.reshape(-1, 1),
      W2, b2.reshape(-1, 1), g2.reshape(-1, 1), beta2.reshape(-1, 1),
      Wq, bq.reshape(-1, 1), Wc, bc.reshape(-1, 1), Ws, bs.reshape(-1, 1), baseT)
    center = ctrT.reshape(3, B, NPROP).transpose(1, 2, 0)
    size = szT.reshape(2, B, NPROP).transpose(1, 2, 0)
    quad_scores = qsT.reshape(2, B, NPROP).transpose(1, 2, 0)

    pc = point_clouds[:, :SAMPLE, :]
    pcT = jnp.transpose(pc, (0, 2, 1))
    stats = pl.pallas_call(
        _stats_kernel,
        grid=(B, SAMPLE // BLKR),
        in_specs=[pl.BlockSpec((1, 3, SAMPLE), lambda b, i: (b, 0, 0)),
                  pl.BlockSpec((1, BLKR, 3), lambda b, i: (b, i, 0))],
        out_specs=pl.BlockSpec((1, BLKR, 10), lambda b, i: (b, i, 0)),
        out_shape=jax.ShapeDtypeStruct((B, SAMPLE, 10), f32),
    )(pcT, pc)
    sflat = stats.reshape(B * SAMPLE, 10)
    cxx, cxy, cxz, cyy, cyz, czz = (sflat[:, k] for k in range(6))
    row0 = jnp.stack([cxx, cxy, cxz], axis=-1)
    row1 = jnp.stack([cxy, cyy, cyz], axis=-1)
    row2 = jnp.stack([cxz, cyz, czz], axis=-1)
    cov = jnp.stack([row0, row1, row2], axis=-2)
    idx = jnp.nonzero(sflat[:, 9] > 0.5, size=EIGH_CAP, fill_value=0)[0]
    _, hvecs = jnp.linalg.eigh(cov[idx])
    n0 = sflat[:, 6:9].at[idx].set(hvecs[..., 0])
    n0T = jnp.transpose(n0.reshape(B, SAMPLE, 3), (0, 2, 1))

    local_normals = pl.pallas_call(
        _combine_kernel,
        grid=(B, NPROP // QBLK),
        in_specs=[pl.BlockSpec((1, 3, SAMPLE), lambda b, i: (b, 0, 0)),
                  pl.BlockSpec((1, 3, SAMPLE), lambda b, i: (b, 0, 0)),
                  pl.BlockSpec((1, QBLK, 3), lambda b, i: (b, i, 0))],
        out_specs=pl.BlockSpec((1, QBLK, 3), lambda b, i: (b, i, 0)),
        out_shape=jax.ShapeDtypeStruct((B, NPROP, 3), f32),
    )(pcT, n0T, quad_center)

    return (center, size, quad_scores, local_normals)

# --- scband reference (transcript-rebuilt; emitter-appended) ---
"""Pipeline reference for scband-quad-proposal-module-61306363183176 (READ-ONLY COPY).

The authoritative reference and input builder live on the scoring server;
editing this copy changes nothing except your own understanding.
"""

import jax, jax.numpy as jnp
import numpy as np

B = 4
HIDDEN = 256
NPROP = 1024
NPTS = 40000
SAMPLE = 4000
MAXNN = 20
RADIUS = 0.2
KQ = 10


def setup_inputs(seed: int = 0) -> dict:
    key = jax.random.key(seed)
    ks = jax.random.split(key, 12)
    s = 0.05
    return {
        "net": jax.random.normal(ks[0], (B, HIDDEN, NPROP), dtype=jnp.float32),
        "base_xyz": jax.random.normal(ks[1], (B, NPROP, 3), dtype=jnp.float32),
        "point_clouds": jax.random.normal(ks[2], (B, NPTS, 3), dtype=jnp.float32),
        "quad_center": jax.random.normal(ks[3], (B, NPROP, 3), dtype=jnp.float32),
        "W1": jax.random.normal(ks[4], (HIDDEN, HIDDEN), dtype=jnp.float32) * s,
        "b1": jnp.zeros((HIDDEN,), jnp.float32),
        "g1": jnp.ones((HIDDEN,), jnp.float32),
        "beta1": jnp.zeros((HIDDEN,), jnp.float32),
        "W2": jax.random.normal(ks[5], (HIDDEN, HIDDEN), dtype=jnp.float32) * s,
        "b2": jnp.zeros((HIDDEN,), jnp.float32),
        "g2": jnp.ones((HIDDEN,), jnp.float32),
        "beta2": jnp.zeros((HIDDEN,), jnp.float32),
        "Wq": jax.random.normal(ks[6], (2, HIDDEN), dtype=jnp.float32) * s,
        "bq": jnp.zeros((2,), jnp.float32),
        "Wc": jax.random.normal(ks[7], (3, HIDDEN), dtype=jnp.float32) * s,
        "bc": jnp.zeros((3,), jnp.float32),
        "Ws": jax.random.normal(ks[8], (2, HIDDEN), dtype=jnp.float32) * s,
        "bs": jnp.zeros((2,), jnp.float32),
    }


def _conv1x1(x, W, b):
    return jnp.einsum("oc,bcl->bol", W, x) + b[None, :, None]


def _bn_relu(x, g, beta):
    m = x.mean(axis=(0, 2), keepdims=True)
    v = x.var(axis=(0, 2), keepdims=True)
    y = (x - m) / jnp.sqrt(v + 1e-5) * g[None, :, None] + beta[None, :, None]
    return jax.nn.relu(y)


def _estimate_normals(pc):
    # pc: [SAMPLE, 3]. kNN (max_nn=20) with radius filter 0.2, PCA normal = smallest eigvec.
    d2 = jnp.sum((pc[:, None, :] - pc[None, :, :]) ** 2, axis=-1)
    negd, idx = jax.lax.top_k(-d2, MAXNN)
    nbr = pc[idx]  # [SAMPLE, MAXNN, 3]
    w = ((-negd) <= RADIUS ** 2).astype(jnp.float32)[..., None]
    cnt = jnp.maximum(w.sum(axis=1), 1.0)  # [SAMPLE, 1]
    mu = (nbr * w).sum(axis=1) / cnt
    diff = nbr - mu[:, None, :]
    cov = jnp.einsum("nkd,nke->nde", diff * w, diff) / cnt[:, :, None]
    _, vecs = jnp.linalg.eigh(cov)
    n = vecs[:, :, 0]
    center = pc.mean(axis=0)
    rev = jnp.sum((pc - center) * n, axis=-1) < 0
    n = jnp.where(rev[:, None], -n, n)
    return -n


def _local_normals(point_clouds, quad_center):
    outs = []
    for i in range(B):
        # deterministic subsample of SAMPLE points (replaces random.sample)
        pc = point_clouds[i, :SAMPLE, :3]
        normals = _estimate_normals(pc)
        d2 = jnp.sum((quad_center[i][:, None, :] - pc[None, :, :]) ** 2, axis=-1)
        _, ind = jax.lax.top_k(-d2, KQ)  # [NPROP, KQ]
        sel = normals[ind].mean(axis=1)
        sel = sel.at[:, 2].set(0.0)
        sel = sel / jnp.linalg.norm(sel, axis=1)[:, None]
        sel = jnp.where(jnp.isnan(sel), 1e-6, sel)
        outs.append(sel)
    return jnp.stack(outs, axis=0)


def reference(net, base_xyz, point_clouds, quad_center, W1, b1, g1, beta1, W2, b2, g2, beta2, Wq, bq, Wc, bc, Ws, bs):
    h = _bn_relu(_conv1x1(net, W1, b1), g1, beta1)
    h = _bn_relu(_conv1x1(h, W2, b2), g2, beta2)
    quad_scores = jnp.transpose(_conv1x1(h, Wq, bq), (0, 2, 1))
    center = jnp.transpose(_conv1x1(h, Wc, bc), (0, 2, 1)) + base_xyz
    size = jnp.transpose(_conv1x1(h, Ws, bs), (0, 2, 1))
    local_normals = _local_normals(point_clouds, quad_center)
    return (center, size, quad_scores, local_normals)

if __name__ == "__main__":
    import jax
    _d = setup_inputs()
    print(jax.jit(kernel)(*tuple(_d.values())))

</pallas_src>

<mosaic_0001>
module attributes {stable_mosaic.version = 14 : i64} {
  func.func @_stats_kernel(%arg0: i32, %arg1: i32, %arg2: memref<1x3x4000xf32, #tpu.memory_space<vmem>>, %arg3: memref<1x200x3xf32, #tpu.memory_space<vmem>>, %arg4: memref<1x200x10xf32, #tpu.memory_space<vmem>>) attributes {dimension_semantics = [#tpu.dimension_semantics<arbitrary>, #tpu.dimension_semantics<arbitrary>], iteration_bounds = array<i64: 4, 20>, scalar_prefetch = 0 : i64, scratch_operands = 0 : i64, tpu.core_type = #tpu.core_type<tc>, window_params = [{transform_indices = @transform_0, window_bounds = array<i64: 1, 3, 4000>}, {transform_indices = @transform_1, window_bounds = array<i64: 1, 200, 3>}, {transform_indices = @transform_2, window_bounds = array<i64: 1, 200, 10>}]} {
    %get3A = arith.constant 0 : index
    %get3A_0 = arith.constant 0 : index
    %get3A_1 = arith.constant 0 : index
    %get3A_2 = vector.load %arg2[%get3A, %get3A_0, %get3A_1] : memref<1x3x4000xf32, #tpu.memory_space<vmem>>, vector<1x1x4000xf32>
    %get3A_3 = vector.shape_cast %get3A_2 : vector<1x1x4000xf32> to vector<1x4000xf32>
    %get3A_4 = arith.constant 0 : index
    %get3A_5 = arith.constant 1 : index
    %get3A_6 = arith.constant 0 : index
    %get3A_7 = vector.load %arg2[%get3A_4, %get3A_5, %get3A_6] : memref<1x3x4000xf32, #tpu.memory_space<vmem>>, vector<1x1x4000xf32>
    %get3A_8 = vector.shape_cast %get3A_7 : vector<1x1x4000xf32> to vector<1x4000xf32>
    %get3A_9 = arith.constant 0 : index
    %get3A_10 = arith.constant 2 : index
    %get3A_11 = arith.constant 0 : index
    %get3A_12 = vector.load %arg2[%get3A_9, %get3A_10, %get3A_11] : memref<1x3x4000xf32, #tpu.memory_space<vmem>>, vector<1x1x4000xf32>
    %get3A_13 = vector.shape_cast %get3A_12 : vector<1x1x4000xf32> to vector<1x4000xf32>
    %get3A_14 = arith.constant 0 : index
    %get3A_15 = arith.constant 0 : index
    %get3A_16 = arith.constant 0 : index
    %get3A_17 = vector.load %arg3[%get3A_14, %get3A_15, %get3A_16] : memref<1x200x3xf32, #tpu.memory_space<vmem>>, vector<1x200x1xf32>
    %get3A_18 = vector.shape_cast %get3A_17 : vector<1x200x1xf32> to vector<200x1xf32>
    %get3A_19 = arith.constant 0 : index
    %get3A_20 = arith.constant 0 : index
    %get3A_21 = arith.constant 1 : index
    %get3A_22 = vector.load %arg3[%get3A_19, %get3A_20, %get3A_21] : memref<1x200x3xf32, #tpu.memory_space<vmem>>, vector<1x200x1xf32>
    %get3A_23 = vector.shape_cast %get3A_22 : vector<1x200x1xf32> to vector<200x1xf32>
    %get3A_24 = arith.constant 0 : index
    %get3A_25 = arith.constant 0 : index
    %get3A_26 = arith.constant 2 : index
    %get3A_27 = vector.load %arg3[%get3A_24, %get3A_25, %get3A_26] : memref<1x200x3xf32, #tpu.memory_space<vmem>>, vector<1x200x1xf32>
    %get3A_28 = vector.shape_cast %get3A_27 : vector<1x200x1xf32> to vector<200x1xf32>
    %sub3A = vector.broadcast %get3A_18 : vector<200x1xf32> to vector<200x4000xf32>
    %sub3A_29 = vector.broadcast %get3A_3 : vector<1x4000xf32> to vector<200x4000xf32>
    %sub3A_30 = arith.subf %sub3A, %sub3A_29 : vector<200x4000xf32>
    %sub3A_31 = vector.broadcast %get3A_23 : vector<200x1xf32> to vector<200x4000xf32>
    %sub3A_32 = vector.broadcast %get3A_8 : vector<1x4000xf32> to vector<200x4000xf32>
    %sub3A_33 = arith.subf %sub3A_31, %sub3A_32 : vector<200x4000xf32>
    %sub3A_34 = vector.broadcast %get3A_28 : vector<200x1xf32> to vector<200x4000xf32>
    %sub3A_35 = vector.broadcast %get3A_13 : vector<1x4000xf32> to vector<200x4000xf32>
    %sub3A_36 = arith.subf %sub3A_34, %sub3A_35 : vector<200x4000xf32>
    %mul3A = arith.mulf %sub3A_30, %sub3A_30 : vector<200x4000xf32>
    %mul3A_37 = arith.mulf %sub3A_33, %sub3A_33 : vector<200x4000xf32>
    %add3A = arith.addf %mul3A, %mul3A_37 : vector<200x4000xf32>
    %mul3A_38 = arith.mulf %sub3A_36, %sub3A_36 : vector<200x4000xf32>
    %add3A_39 = arith.addf %add3A, %mul3A_38 : vector<200x4000xf32>
    %bitcast_convert_type3A = tpu.bitcast %add3A_39 : vector<200x4000xf32> -> vector<200x4000xi32>
    %broadcast_in_dim3A = arith.constant 1025758986 : i32
    %broadcast_in_dim3A_40 = vector.broadcast %broadcast_in_dim3A : i32 to vector<200x1xi32>
    %broadcast_in_dim3A_41 = arith.constant -1 : i32
    %broadcast_in_dim3A_42 = vector.broadcast %broadcast_in_dim3A_41 : i32 to vector<200x1xi32>
    %scan3A = arith.constant 0 : i32
    %scan3A_43 = arith.constant 30 : i32
    %scan3A_44 = arith.addi %scan3A, %scan3A_43 : i32
    %scan3A_45 = arith.constant 1 : i32
    %scan3A_46:2 = scf.for %scan3A_976 = %scan3A to %scan3A_44 step %scan3A_45 iter_args(%scan3A_977 = %broadcast_in_dim3A_42, %scan3A_978 = %broadcast_in_dim3A_40) -> (vector<200x1xi32>, vector<200x1xi32>)  : i32 {
      %sub3A_979 = arith.subi %scan3A_978, %scan3A_977 : vector<200x1xi32>
      %jit3A_980 = arith.constant 2 : i32
      %div3A_981 = vector.broadcast %jit3A_980 : i32 to vector<200x1xi32>
      %div3A_982 = arith.divsi %sub3A_979, %div3A_981 : vector<200x1xi32>
      %sign3A = arith.constant 0 : i32
      %sign3A_983 = vector.broadcast %sign3A : i32 to vector<200x1xi32>
      %sign3A_984 = arith.cmpi sgt, %sub3A_979, %sign3A_983 : vector<200x1xi32>
      %sign3A_985 = arith.extui %sign3A_984 : vector<200x1xi1> to vector<200x1xi32>
      %sign3A_986 = arith.constant 0 : i32
      %sign3A_987 = vector.broadcast %sign3A_986 : i32 to vector<200x1xi32>
      %sign3A_988 = arith.cmpi slt, %sub3A_979, %sign3A_987 : vector<200x1xi32>
      %sign3A_989 = arith.extui %sign3A_988 : vector<200x1xi1> to vector<200x1xi32>
      %sign3A_990 = arith.subi %sign3A_985, %sign3A_989 : vector<200x1xi32>
      %sign3A_991 = arith.constant 0 : i32
      %sign3A_992 = arith.cmpi sgt, %jit3A_980, %sign3A_991 : i32
      %sign3A_993 = arith.extui %sign3A_992 : i1 to i32
      %sign3A_994 = arith.constant 0 : i32
      %sign3A_995 = arith.cmpi slt, %jit3A_980, %sign3A_994 : i32
      %sign3A_996 = arith.extui %sign3A_995 : i1 to i32
      %sign3A_997 = arith.subi %sign3A_993, %sign3A_996 : i32
      %ne3A_998 = vector.broadcast %sign3A_997 : i32 to vector<200x1xi32>
      %ne3A_999 = arith.cmpi ne, %sign3A_990, %ne3A_998 : vector<200x1xi32>
      %rem3A = vector.broadcast %jit3A_980 : i32 to vector<200x1xi32>
      %rem3A_1000 = arith.remsi %sub3A_979, %rem3A : vector<200x1xi32>
      %ne3A_1001 = arith.constant 0 : i32
      %ne3A_1002 = vector.broadcast %ne3A_1001 : i32 to vector<200x1xi32>
      %ne3A_1003 = arith.cmpi ne, %rem3A_1000, %ne3A_1002 : vector<200x1xi32>
      %and3A_1004 = arith.andi %ne3A_999, %ne3A_1003 : vector<200x1xi1>
      %sub3A_1005 = arith.constant 1 : i32
      %sub3A_1006 = vector.broadcast %sub3A_1005 : i32 to vector<200x1xi32>
      %sub3A_1007 = arith.subi %div3A_982, %sub3A_1006 : vector<200x1xi32>
      %select_n3A_1008 = arith.select %and3A_1004, %sub3A_1007, %div3A_982 : vector<200x1xi1>, vector<200x1xi32>
      %add3A_1009 = arith.addi %scan3A_977, %select_n3A_1008 : vector<200x1xi32>
      %le3A_1010 = vector.broadcast %add3A_1009 : vector<200x1xi32> to vector<200x4000xi32>
      %le3A_1011 = arith.cmpi sle, %bitcast_convert_type3A, %le3A_1010 : vector<200x4000xi32>
      %convert_element_type3A_1012 = arith.extui %le3A_1011 : vector<200x4000xi1> to vector<200x4000xi32>
      %convert_element_type3A_1013 = arith.sitofp %convert_element_type3A_1012 : vector<200x4000xi32> to vector<200x4000xf32>
      %reduce_sum3A_1014 = arith.constant dense<0.000000e+00> : vector<200xf32>
      %reduce_sum3A_1015 = vector.multi_reduction <add>, %convert_element_type3A_1013, %reduce_sum3A_1014 [1] : vector<200x4000xf32> to vector<200xf32>
      %broadcast_in_dim3A_1016 = vector.shape_cast %reduce_sum3A_1015 : vector<200xf32> to vector<200x1xf32>
      %ge3A_1017 = arith.constant 2.000000e+01 : f32
      %ge3A_1018 = vector.broadcast %ge3A_1017 : f32 to vector<200x1xf32>
      %ge3A_1019 = arith.cmpf oge, %broadcast_in_dim3A_1016, %ge3A_1018 : vector<200x1xf32>
      %select_n3A_1020 = arith.select %ge3A_1019, %scan3A_977, %add3A_1009 : vector<200x1xi1>, vector<200x1xi32>
      %select_n3A_1021 = arith.select %ge3A_1019, %add3A_1009, %scan3A_978 : vector<200x1xi1>, vector<200x1xi32>
      scf.yield %select_n3A_1020, %select_n3A_1021 : vector<200x1xi32>, vector<200x1xi32>
    }
    %le3A = vector.broadcast %scan3A_46#1 : vector<200x1xi32> to vector<200x4000xi32>
    %le3A_47 = arith.cmpi sle, %bitcast_convert_type3A, %le3A : vector<200x4000xi32>
    %convert_element_type3A = arith.extui %le3A_47 : vector<200x4000xi1> to vector<200x4000xi32>
    %convert_element_type3A_48 = arith.sitofp %convert_element_type3A : vector<200x4000xi32> to vector<200x4000xf32>
    %reduce_sum3A = arith.constant dense<0.000000e+00> : vector<200xf32>
    %reduce_sum3A_49 = vector.multi_reduction <add>, %convert_element_type3A_48, %reduce_sum3A [1] : vector<200x4000xf32> to vector<200xf32>
    %broadcast_in_dim3A_50 = vector.shape_cast %reduce_sum3A_49 : vector<200xf32> to vector<200x1xf32>
    %jit3A = arith.constant 0.000000e+00 : f32
    %broadcast_in_dim3A_51 = vector.shape_cast %get3A_3 : vector<1x4000xf32> to vector<1x4000xf32>
    %broadcast_in_dim3A_52 = vector.broadcast %broadcast_in_dim3A_51 : vector<1x4000xf32> to vector<200x4000xf32>
    %broadcast_in_dim3A_53 = vector.broadcast %jit3A : f32 to vector<200x4000xf32>
    %select_n3A = arith.select %le3A_47, %broadcast_in_dim3A_52, %broadcast_in_dim3A_53 : vector<200x4000xi1>, vector<200x4000xf32>
    %reduce_sum3A_54 = arith.constant dense<0.000000e+00> : vector<200xf32>
    %reduce_sum3A_55 = vector.multi_reduction <add>, %select_n3A, %reduce_sum3A_54 [1] : vector<200x4000xf32> to vector<200xf32>
    %broadcast_in_dim3A_56 = vector.shape_cast %reduce_sum3A_55 : vector<200xf32> to vector<200x1xf32>
    %jit3A_57 = arith.constant 0.000000e+00 : f32
    %broadcast_in_dim3A_58 = vector.shape_cast %get3A_8 : vector<1x4000xf32> to vector<1x4000xf32>
    %broadcast_in_dim3A_59 = vector.broadcast %broadcast_in_dim3A_58 : vector<1x4000xf32> to vector<200x4000xf32>
    %broadcast_in_dim3A_60 = vector.broadcast %jit3A_57 : f32 to vector<200x4000xf32>
    %select_n3A_61 = arith.select %le3A_47, %broadcast_in_dim3A_59, %broadcast_in_dim3A_60 : vector<200x4000xi1>, vector<200x4000xf32>
    %reduce_sum3A_62 = arith.constant dense<0.000000e+00> : vector<200xf32>
    %reduce_sum3A_63 = vector.multi_reduction <add>, %select_n3A_61, %reduce_sum3A_62 [1] : vector<200x4000xf32> to vector<200xf32>
    %broadcast_in_dim3A_64 = vector.shape_cast %reduce_sum3A_63 : vector<200xf32> to vector<200x1xf32>
    %jit3A_65 = arith.constant 0.000000e+00 : f32
    %broadcast_in_dim3A_66 = vector.shape_cast %get3A_13 : vector<1x4000xf32> to vector<1x4000xf32>
    %broadcast_in_dim3A_67 = vector.broadcast %broadcast_in_dim3A_66 : vector<1x4000xf32> to vector<200x4000xf32>
    %broadcast_in_dim3A_68 = vector.broadcast %jit3A_65 : f32 to vector<200x4000xf32>
    %select_n3A_69 = arith.select %le3A_47, %broadcast_in_dim3A_67, %broadcast_in_dim3A_68 : vector<200x4000xi1>, vector<200x4000xf32>
    %reduce_sum3A_70 = arith.constant dense<0.000000e+00> : vector<200xf32>
    %reduce_sum3A_71 = vector.multi_reduction <add>, %select_n3A_69, %reduce_sum3A_70 [1] : vector<200x4000xf32> to vector<200xf32>
    %broadcast_in_dim3A_72 = vector.shape_cast %reduce_sum3A_71 : vector<200xf32> to vector<200x1xf32>
    %div3A = arith.divf %broadcast_in_dim3A_56, %broadcast_in_dim3A_50 : vector<200x1xf32>
    %div3A_73 = arith.divf %broadcast_in_dim3A_64, %broadcast_in_dim3A_50 : vector<200x1xf32>
    %div3A_74 = arith.divf %broadcast_in_dim3A_72, %broadcast_in_dim3A_50 : vector<200x1xf32>
    %sub3A_75 = vector.broadcast %get3A_3 : vector<1x4000xf32> to vector<200x4000xf32>
    %sub3A_76 = vector.broadcast %div3A : vector<200x1xf32> to vector<200x4000xf32>
    %sub3A_77 = arith.subf %sub3A_75, %sub3A_76 : vector<200x4000xf32>
    %sub3A_78 = vector.broadcast %get3A_8 : vector<1x4000xf32> to vector<200x4000xf32>
    %sub3A_79 = vector.broadcast %div3A_73 : vector<200x1xf32> to vector<200x4000xf32>
    %sub3A_80 = arith.subf %sub3A_78, %sub3A_79 : vector<200x4000xf32>
    %sub3A_81 = vector.broadcast %get3A_13 : vector<1x4000xf32> to vector<200x4000xf32>
    %sub3A_82 = vector.broadcast %div3A_74 : vector<200x1xf32> to vector<200x4000xf32>
    %sub3A_83 = arith.subf %sub3A_81, %sub3A_82 : vector<200x4000xf32>
    %convert_element_type3A_84 = arith.truncf %sub3A_77 : vector<200x4000xf32> to vector<200x4000xbf16>
    %convert_element_type3A_85 = arith.extf %convert_element_type3A_84 : vector<200x4000xbf16> to vector<200x4000xf32>
    %convert_element_type3A_86 = arith.truncf %sub3A_80 : vector<200x4000xf32> to vector<200x4000xbf16>
    %convert_element_type3A_87 = arith.extf %convert_element_type3A_86 : vector<200x4000xbf16> to vector<200x4000xf32>
    %convert_element_type3A_88 = arith.truncf %sub3A_83 : vector<200x4000xf32> to vector<200x4000xbf16>
    %convert_element_type3A_89 = arith.extf %convert_element_type3A_88 : vector<200x4000xbf16> to vector<200x4000xf32>
    %mul3A_90 = arith.mulf %convert_element_type3A_85, %convert_element_type3A_85 : vector<200x4000xf32>
    %jit3A_91 = arith.constant 0.000000e+00 : f32
    %broadcast_in_dim3A_92 = vector.broadcast %jit3A_91 : f32 to vector<200x4000xf32>
    %select_n3A_93 = arith.select %le3A_47, %mul3A_90, %broadcast_in_dim3A_92 : vector<200x4000xi1>, vector<200x4000xf32>
    %reduce_sum3A_94 = arith.constant dense<0.000000e+00> : vector<200xf32>
    %reduce_sum3A_95 = vector.multi_reduction <add>, %select_n3A_93, %reduce_sum3A_94 [1] : vector<200x4000xf32> to vector<200xf32>
    %broadcast_in_dim3A_96 = vector.shape_cast %reduce_sum3A_95 : vector<200xf32> to vector<200x1xf32>
    %div3A_97 = arith.divf %broadcast_in_dim3A_96, %broadcast_in_dim3A_50 : vector<200x1xf32>
    %mul3A_98 = arith.mulf %convert_element_type3A_85, %convert_element_type3A_87 : vector<200x4000xf32>
    %jit3A_99 = arith.constant 0.000000e+00 : f32
    %broadcast_in_dim3A_100 = vector.broadcast %jit3A_99 : f32 to vector<200x4000xf32>
    %select_n3A_101 = arith.select %le3A_47, %mul3A_98, %broadcast_in_dim3A_100 : vector<200x4000xi1>, vector<200x4000xf32>
    %reduce_sum3A_102 = arith.constant dense<0.000000e+00> : vector<200xf32>
    %reduce_sum3A_103 = vector.multi_reduction <add>, %select_n3A_101, %reduce_sum3A_102 [1] : vector<200x4000xf32> to vector<200xf32>
    %broadcast_in_dim3A_104 = vector.shape_cast %reduce_sum3A_103 : vector<200xf32> to vector<200x1xf32>
    %div3A_105 = arith.divf %broadcast_in_dim3A_104, %broadcast_in_dim3A_50 : vector<200x1xf32>
    %mul3A_106 = arith.mulf %convert_element_type3A_85, %convert_element_type3A_89 : vector<200x4000xf32>
    %jit3A_107 = arith.constant 0.000000e+00 : f32
    %broadcast_in_dim3A_108 = vector.broadcast %jit3A_107 : f32 to vector<200x4000xf32>
    %select_n3A_109 = arith.select %le3A_47, %mul3A_106, %broadcast_in_dim3A_108 : vector<200x4000xi1>, vector<200x4000xf32>
    %reduce_sum3A_110 = arith.constant dense<0.000000e+00> : vector<200xf32>
    %reduce_sum3A_111 = vector.multi_reduction <add>, %select_n3A_109, %reduce_sum3A_110 [1] : vector<200x4000xf32> to vector<200xf32>
    %broadcast_in_dim3A_112 = vector.shape_cast %reduce_sum3A_111 : vector<200xf32> to vector<200x1xf32>
    %div3A_113 = arith.divf %broadcast_in_dim3A_112, %broadcast_in_dim3A_50 : vector<200x1xf32>
    %mul3A_114 = arith.mulf %convert_element_type3A_87, %convert_element_type3A_87 : vector<200x4000xf32>
    %jit3A_115 = arith.constant 0.000000e+00 : f32
    %broadcast_in_dim3A_116 = vector.broadcast %jit3A_115 : f32 to vector<200x4000xf32>
    %select_n3A_117 = arith.select %le3A_47, %mul3A_114, %broadcast_in_dim3A_116 : vector<200x4000xi1>, vector<200x4000xf32>
    %reduce_sum3A_118 = arith.constant dense<0.000000e+00> : vector<200xf32>
    %reduce_sum3A_119 = vector.multi_reduction <add>, %select_n3A_117, %reduce_sum3A_118 [1] : vector<200x4000xf32> to vector<200xf32>
    %broadcast_in_dim3A_120 = vector.shape_cast %reduce_sum3A_119 : vector<200xf32> to vector<200x1xf32>
    %div3A_121 = arith.divf %broadcast_in_dim3A_120, %broadcast_in_dim3A_50 : vector<200x1xf32>
    %mul3A_122 = arith.mulf %convert_element_type3A_87, %convert_element_type3A_89 : vector<200x4000xf32>
    %jit3A_123 = arith.constant 0.000000e+00 : f32
    %broadcast_in_dim3A_124 = vector.broadcast %jit3A_123 : f32 to vector<200x4000xf32>
    %select_n3A_125 = arith.select %le3A_47, %mul3A_122, %broadcast_in_dim3A_124 : vector<200x4000xi1>, vector<200x4000xf32>
    %reduce_sum3A_126 = arith.constant dense<0.000000e+00> : vector<200xf32>
    %reduce_sum3A_127 = vector.multi_reduction <add>, %select_n3A_125, %reduce_sum3A_126 [1] : vector<200x4000xf32> to vector<200xf32>
    %broadcast_in_dim3A_128 = vector.shape_cast %reduce_sum3A_127 : vector<200xf32> to vector<200x1xf32>
    %div3A_129 = arith.divf %broadcast_in_dim3A_128, %broadcast_in_dim3A_50 : vector<200x1xf32>
    %mul3A_130 = arith.mulf %convert_element_type3A_89, %convert_element_type3A_89 : vector<200x4000xf32>
    %jit3A_131 = arith.constant 0.000000e+00 : f32
    %broadcast_in_dim3A_132 = vector.broadcast %jit3A_131 : f32 to vector<200x4000xf32>
    %select_n3A_133 = arith.select %le3A_47, %mul3A_130, %broadcast_in_dim3A_132 : vector<200x4000xi1>, vector<200x4000xf32>
    %reduce_sum3A_134 = arith.constant dense<0.000000e+00> : vector<200xf32>
    %reduce_sum3A_135 = vector.multi_reduction <add>, %select_n3A_133, %reduce_sum3A_134 [1] : vector<200x4000xf32> to vector<200xf32>
    %broadcast_in_dim3A_136 = vector.shape_cast %reduce_sum3A_135 : vector<200xf32> to vector<200x1xf32>
    %div3A_137 = arith.divf %broadcast_in_dim3A_136, %broadcast_in_dim3A_50 : vector<200x1xf32>
    %broadcast_in_dim3A_138 = arith.constant 1.000000e+00 : f32
    %broadcast_in_dim3A_139 = vector.broadcast %broadcast_in_dim3A_138 : f32 to vector<200x1xf32>
    %broadcast_in_dim3A_140 = arith.constant 0.000000e+00 : f32
    %broadcast_in_dim3A_141 = vector.broadcast %broadcast_in_dim3A_140 : f32 to vector<200x1xf32>
    %ne3A = arith.constant 0.000000e+00 : f32
    %ne3A_142 = vector.broadcast %ne3A : f32 to vector<200x1xf32>
    %ne3A_143 = arith.cmpf one, %div3A_105, %ne3A_142 : vector<200x1xf32>
    %mul3A_144 = arith.constant 2.000000e+00 : f32
    %mul3A_145 = vector.broadcast %mul3A_144 : f32 to vector<200x1xf32>
    %mul3A_146 = arith.mulf %mul3A_145, %div3A_105 : vector<200x1xf32>
    %jit3A_147 = arith.constant 1.000000e+00 : f32
    %broadcast_in_dim3A_148 = vector.broadcast %jit3A_147 : f32 to vector<200x1xf32>
    %select_n3A_149 = arith.select %ne3A_143, %mul3A_146, %broadcast_in_dim3A_148 : vector<200x1xi1>, vector<200x1xf32>
    %sub3A_150 = arith.subf %div3A_121, %div3A_97 : vector<200x1xf32>
    %div3A_151 = arith.divf %sub3A_150, %select_n3A_149 : vector<200x1xf32>
    %ge3A = arith.constant 0.000000e+00 : f32
    %ge3A_152 = vector.broadcast %ge3A : f32 to vector<200x1xf32>
    %ge3A_153 = arith.cmpf oge, %div3A_151, %ge3A_152 : vector<200x1xf32>
    %jit3A_154 = arith.constant 1.000000e+00 : f32
    %jit3A_155 = arith.constant -1.000000e+00 : f32
    %broadcast_in_dim3A_156 = vector.broadcast %jit3A_154 : f32 to vector<200x1xf32>
    %broadcast_in_dim3A_157 = vector.broadcast %jit3A_155 : f32 to vector<200x1xf32>
    %select_n3A_158 = arith.select %ge3A_153, %broadcast_in_dim3A_156, %broadcast_in_dim3A_157 : vector<200x1xi1>, vector<200x1xf32>
    %abs3A = math.absf %div3A_151 : vector<200x1xf32>
    %mul3A_159 = arith.mulf %div3A_151, %div3A_151 : vector<200x1xf32>
    %add3A_160 = arith.constant 1.000000e+00 : f32
    %add3A_161 = vector.broadcast %add3A_160 : f32 to vector<200x1xf32>
    %add3A_162 = arith.addf %add3A_161, %mul3A_159 : vector<200x1xf32>
    %sqrt3A = math.sqrt %add3A_162 : vector<200x1xf32>
    %add3A_163 = arith.addf %abs3A, %sqrt3A : vector<200x1xf32>
    %div3A_164 = arith.divf %select_n3A_158, %add3A_163 : vector<200x1xf32>
    %jit3A_165 = arith.constant 0.000000e+00 : f32
    %broadcast_in_dim3A_166 = vector.broadcast %jit3A_165 : f32 to vector<200x1xf32>
    %select_n3A_167 = arith.select %ne3A_143, %div3A_164, %broadcast_in_dim3A_166 : vector<200x1xi1>, vector<200x1xf32>
    %mul3A_168 = arith.mulf %select_n3A_167, %select_n3A_167 : vector<200x1xf32>
    %add3A_169 = arith.constant 1.000000e+00 : f32
    %add3A_170 = vector.broadcast %add3A_169 : f32 to vector<200x1xf32>
    %add3A_171 = arith.addf %add3A_170, %mul3A_168 : vector<200x1xf32>
    %sqrt3A_172 = math.sqrt %add3A_171 : vector<200x1xf32>
    %div3A_173 = arith.constant 1.000000e+00 : f32
    %div3A_174 = vector.broadcast %div3A_173 : f32 to vector<200x1xf32>
    %div3A_175 = arith.divf %div3A_174, %sqrt3A_172 : vector<200x1xf32>
    %mul3A_176 = arith.mulf %select_n3A_167, %div3A_175 : vector<200x1xf32>
    %mul3A_177 = arith.mulf %select_n3A_167, %div3A_105 : vector<200x1xf32>
    %sub3A_178 = arith.subf %div3A_97, %mul3A_177 : vector<200x1xf32>
    %mul3A_179 = arith.mulf %select_n3A_167, %div3A_105 : vector<200x1xf32>
    %add3A_180 = arith.addf %div3A_121, %mul3A_179 : vector<200x1xf32>
    %mul3A_181 = arith.mulf %div3A_175, %div3A_113 : vector<200x1xf32>
    %mul3A_182 = arith.mulf %mul3A_176, %div3A_129 : vector<200x1xf32>
    %sub3A_183 = arith.subf %mul3A_181, %mul3A_182 : vector<200x1xf32>
    %mul3A_184 = arith.mulf %mul3A_176, %div3A_113 : vector<200x1xf32>
    %mul3A_185 = arith.mulf %div3A_175, %div3A_129 : vector<200x1xf32>
    %add3A_186 = arith.addf %mul3A_184, %mul3A_185 : vector<200x1xf32>
    %mul3A_187 = arith.mulf %div3A_175, %broadcast_in_dim3A_139 : vector<200x1xf32>
    %mul3A_188 = arith.mulf %mul3A_176, %broadcast_in_dim3A_141 : vector<200x1xf32>
    %sub3A_189 = arith.subf %mul3A_187, %mul3A_188 : vector<200x1xf32>
    %mul3A_190 = arith.mulf %mul3A_176, %broadcast_in_dim3A_139 : vector<200x1xf32>
    %mul3A_191 = arith.mulf %div3A_175, %broadcast_in_dim3A_141 : vector<200x1xf32>
    %add3A_192 = arith.addf %mul3A_190, %mul3A_191 : vector<200x1xf32>
    %mul3A_193 = arith.mulf %div3A_175, %broadcast_in_dim3A_141 : vector<200x1xf32>
    %mul3A_194 = arith.mulf %mul3A_176, %broadcast_in_dim3A_139 : vector<200x1xf32>
    %sub3A_195 = arith.subf %mul3A_193, %mul3A_194 : vector<200x1xf32>
    %mul3A_196 = arith.mulf %mul3A_176, %broadcast_in_dim3A_141 : vector<200x1xf32>
    %mul3A_197 = arith.mulf %div3A_175, %broadcast_in_dim3A_139 : vector<200x1xf32>
    %add3A_198 = arith.addf %mul3A_196, %mul3A_197 : vector<200x1xf32>
    %mul3A_199 = arith.mulf %div3A_175, %broadcast_in_dim3A_141 : vector<200x1xf32>
    %mul3A_200 = arith.mulf %mul3A_176, %broadcast_in_dim3A_141 : vector<200x1xf32>
    %sub3A_201 = arith.subf %mul3A_199, %mul3A_200 : vector<200x1xf32>
    %mul3A_202 = arith.mulf %mul3A_176, %broadcast_in_dim3A_141 : vector<200x1xf32>
    %mul3A_203 = arith.mulf %div3A_175, %broadcast_in_dim3A_141 : vector<200x1xf32>
    %add3A_204 = arith.addf %mul3A_202, %mul3A_203 : vector<200x1xf32>
    %ne3A_205 = arith.constant 0.000000e+00 : f32
    %ne3A_206 = vector.broadcast %ne3A_205 : f32 to vector<200x1xf32>
    %ne3A_207 = arith.cmpf one, %sub3A_183, %ne3A_206 : vector<200x1xf32>
    %mul3A_208 = arith.constant 2.000000e+00 : f32
    %mul3A_209 = vector.broadcast %mul3A_208 : f32 to vector<200x1xf32>
    %mul3A_210 = arith.mulf %mul3A_209, %sub3A_183 : vector<200x1xf32>
    %jit3A_211 = arith.constant 1.000000e+00 : f32
    %broadcast_in_dim3A_212 = vector.broadcast %jit3A_211 : f32 to vector<200x1xf32>
    %select_n3A_213 = arith.select %ne3A_207, %mul3A_210, %broadcast_in_dim3A_212 : vector<200x1xi1>, vector<200x1xf32>
    %sub3A_214 = arith.subf %div3A_137, %sub3A_178 : vector<200x1xf32>
    %div3A_215 = arith.divf %sub3A_214, %select_n3A_213 : vector<200x1xf32>
    %ge3A_216 = arith.constant 0.000000e+00 : f32
    %ge3A_217 = vector.broadcast %ge3A_216 : f32 to vector<200x1xf32>
    %ge3A_218 = arith.cmpf oge, %div3A_215, %ge3A_217 : vector<200x1xf32>
    %jit3A_219 = arith.constant 1.000000e+00 : f32
    %jit3A_220 = arith.constant -1.000000e+00 : f32
    %broadcast_in_dim3A_221 = vector.broadcast %jit3A_219 : f32 to vector<200x1xf32>
    %broadcast_in_dim3A_222 = vector.broadcast %jit3A_220 : f32 to vector<200x1xf32>
    %select_n3A_223 = arith.select %ge3A_218, %broadcast_in_dim3A_221, %broadcast_in_dim3A_222 : vector<200x1xi1>, vector<200x1xf32>
    %abs3A_224 = math.absf %div3A_215 : vector<200x1xf32>
    %mul3A_225 = arith.mulf %div3A_215, %div3A_215 : vector<200x1xf32>
    %add3A_226 = arith.constant 1.000000e+00 : f32
    %add3A_227 = vector.broadcast %add3A_226 : f32 to vector<200x1xf32>
    %add3A_228 = arith.addf %add3A_227, %mul3A_225 : vector<200x1xf32>
    %sqrt3A_229 = math.sqrt %add3A_228 : vector<200x1xf32>
    %add3A_230 = arith.addf %abs3A_224, %sqrt3A_229 : vector<200x1xf32>
    %div3A_231 = arith.divf %select_n3A_223, %add3A_230 : vector<200x1xf32>
    %jit3A_232 = arith.constant 0.000000e+00 : f32
    %broadcast_in_dim3A_233 = vector.broadcast %jit3A_232 : f32 to vector<200x1xf32>
    %select_n3A_234 = arith.select %ne3A_207, %div3A_231, %broadcast_in_dim3A_233 : vector<200x1xi1>, vector<200x1xf32>
    %mul3A_235 = arith.mulf %select_n3A_234, %select_n3A_234 : vector<200x1xf32>
    %add3A_236 = arith.constant 1.000000e+00 : f32
    %add3A_237 = vector.broadcast %add3A_236 : f32 to vector<200x1xf32>
    %add3A_238 = arith.addf %add3A_237, %mul3A_235 : vector<200x1xf32>
    %sqrt3A_239 = math.sqrt %add3A_238 : vector<200x1xf32>
    %div3A_240 = arith.constant 1.000000e+00 : f32
    %div3A_241 = vector.broadcast %div3A_240 : f32 to vector<200x1xf32>
    %div3A_242 = arith.divf %div3A_241, %sqrt3A_239 : vector<200x1xf32>
    %mul3A_243 = arith.mulf %select_n3A_234, %div3A_242 : vector<200x1xf32>
    %mul3A_244 = arith.mulf %select_n3A_234, %sub3A_183 : vector<200x1xf32>
    %sub3A_245 = arith.subf %sub3A_178, %mul3A_244 : vector<200x1xf32>
    %mul3A_246 = arith.mulf %select_n3A_234, %sub3A_183 : vector<200x1xf32>
    %add3A_247 = arith.addf %div3A_137, %mul3A_246 : vector<200x1xf32>
    %mul3A_248 = arith.mulf %div3A_242, %broadcast_in_dim3A_141 : vector<200x1xf32>
    %mul3A_249 = arith.mulf %mul3A_243, %add3A_186 : vector<200x1xf32>
    %sub3A_250 = arith.subf %mul3A_248, %mul3A_249 : vector<200x1xf32>
    %mul3A_251 = arith.mulf %mul3A_243, %broadcast_in_dim3A_141 : vector<200x1xf32>
    %mul3A_252 = arith.mulf %div3A_242, %add3A_186 : vector<200x1xf32>
    %add3A_253 = arith.addf %mul3A_251, %mul3A_252 : vector<200x1xf32>
    %mul3A_254 = arith.mulf %div3A_242, %sub3A_189 : vector<200x1xf32>
    %mul3A_255 = arith.mulf %mul3A_243, %broadcast_in_dim3A_141 : vector<200x1xf32>
    %sub3A_256 = arith.subf %mul3A_254, %mul3A_255 : vector<200x1xf32>
    %mul3A_257 = arith.mulf %mul3A_243, %sub3A_189 : vector<200x1xf32>
    %mul3A_258 = arith.mulf %div3A_242, %broadcast_in_dim3A_141 : vector<200x1xf32>
    %add3A_259 = arith.addf %mul3A_257, %mul3A_258 : vector<200x1xf32>
    %mul3A_260 = arith.mulf %div3A_242, %sub3A_195 : vector<200x1xf32>
    %mul3A_261 = arith.mulf %mul3A_243, %broadcast_in_dim3A_141 : vector<200x1xf32>
    %sub3A_262 = arith.subf %mul3A_260, %mul3A_261 : vector<200x1xf32>
    %mul3A_263 = arith.mulf %mul3A_243, %sub3A_195 : vector<200x1xf32>
    %mul3A_264 = arith.mulf %div3A_242, %broadcast_in_dim3A_141 : vector<200x1xf32>
    %add3A_265 = arith.addf %mul3A_263, %mul3A_264 : vector<200x1xf32>
    %mul3A_266 = arith.mulf %div3A_242, %sub3A_201 : vector<200x1xf32>
    %mul3A_267 = arith.mulf %mul3A_243, %broadcast_in_dim3A_139 : vector<200x1xf32>
    %sub3A_268 = arith.subf %mul3A_266, %mul3A_267 : vector<200x1xf32>
    %mul3A_269 = arith.mulf %mul3A_243, %sub3A_201 : vector<200x1xf32>
    %mul3A_270 = arith.mulf %div3A_242, %broadcast_in_dim3A_139 : vector<200x1xf32>
    %add3A_271 = arith.addf %mul3A_269, %mul3A_270 : vector<200x1xf32>
    %ne3A_272 = arith.constant 0.000000e+00 : f32
    %ne3A_273 = vector.broadcast %ne3A_272 : f32 to vector<200x1xf32>
    %ne3A_274 = arith.cmpf one, %add3A_253, %ne3A_273 : vector<200x1xf32>
    %mul3A_275 = arith.constant 2.000000e+00 : f32
    %mul3A_276 = vector.broadcast %mul3A_275 : f32 to vector<200x1xf32>
    %mul3A_277 = arith.mulf %mul3A_276, %add3A_253 : vector<200x1xf32>
    %jit3A_278 = arith.constant 1.000000e+00 : f32
    %broadcast_in_dim3A_279 = vector.broadcast %jit3A_278 : f32 to vector<200x1xf32>
    %select_n3A_280 = arith.select %ne3A_274, %mul3A_277, %broadcast_in_dim3A_279 : vector<200x1xi1>, vector<200x1xf32>
    %sub3A_281 = arith.subf %add3A_247, %add3A_180 : vector<200x1xf32>
    %div3A_282 = arith.divf %sub3A_281, %select_n3A_280 : vector<200x1xf32>
    %ge3A_283 = arith.constant 0.000000e+00 : f32
    %ge3A_284 = vector.broadcast %ge3A_283 : f32 to vector<200x1xf32>
    %ge3A_285 = arith.cmpf oge, %div3A_282, %ge3A_284 : vector<200x1xf32>
    %jit3A_286 = arith.constant 1.000000e+00 : f32
    %jit3A_287 = arith.constant -1.000000e+00 : f32
    %broadcast_in_dim3A_288 = vector.broadcast %jit3A_286 : f32 to vector<200x1xf32>
    %broadcast_in_dim3A_289 = vector.broadcast %jit3A_287 : f32 to vector<200x1xf32>
    %select_n3A_290 = arith.select %ge3A_285, %broadcast_in_dim3A_288, %broadcast_in_dim3A_289 : vector<200x1xi1>, vector<200x1xf32>
    %abs3A_291 = math.absf %div3A_282 : vector<200x1xf32>
    %mul3A_292 = arith.mulf %div3A_282, %div3A_282 : vector<200x1xf32>
    %add3A_293 = arith.constant 1.000000e+00 : f32
    %add3A_294 = vector.broadcast %add3A_293 : f32 to vector<200x1xf32>
    %add3A_295 = arith.addf %add3A_294, %mul3A_292 : vector<200x1xf32>
    %sqrt3A_296 = math.sqrt %add3A_295 : vector<200x1xf32>
    %add3A_297 = arith.addf %abs3A_291, %sqrt3A_296 : vector<200x1xf32>
    %div3A_298 = arith.divf %select_n3A_290, %add3A_297 : vector<200x1xf32>
    %jit3A_299 = arith.constant 0.000000e+00 : f32
    %broadcast_in_dim3A_300 = vector.broadcast %jit3A_299 : f32 to vector<200x1xf32>
    %select_n3A_301 = arith.select %ne3A_274, %div3A_298, %broadcast_in_dim3A_300 : vector<200x1xi1>, vector<200x1xf32>
    %mul3A_302 = arith.mulf %select_n3A_301, %select_n3A_301 : vector<200x1xf32>
    %add3A_303 = arith.constant 1.000000e+00 : f32
    %add3A_304 = vector.broadcast %add3A_303 : f32 to vector<200x1xf32>
    %add3A_305 = arith.addf %add3A_304, %mul3A_302 : vector<200x1xf32>
    %sqrt3A_306 = math.sqrt %add3A_305 : vector<200x1xf32>
    %div3A_307 = arith.constant 1.000000e+00 : f32
    %div3A_308 = vector.broadcast %div3A_307 : f32 to vector<200x1xf32>
    %div3A_309 = arith.divf %div3A_308, %sqrt3A_306 : vector<200x1xf32>
    %mul3A_310 = arith.mulf %select_n3A_301, %div3A_309 : vector<200x1xf32>
    %mul3A_311 = arith.mulf %select_n3A_301, %add3A_253 : vector<200x1xf32>
    %sub3A_312 = arith.subf %add3A_180, %mul3A_311 : vector<200x1xf32>
    %mul3A_313 = arith.mulf %select_n3A_301, %add3A_253 : vector<200x1xf32>
    %add3A_314 = arith.addf %add3A_247, %mul3A_313 : vector<200x1xf32>
    %mul3A_315 = arith.mulf %div3A_309, %sub3A_250 : vector<200x1xf32>
    %mul3A_316 = arith.mulf %mul3A_310, %broadcast_in_dim3A_141 : vector<200x1xf32>
    %sub3A_317 = arith.subf %mul3A_315, %mul3A_316 : vector<200x1xf32>
    %mul3A_318 = arith.mulf %mul3A_310, %sub3A_250 : vector<200x1xf32>
    %mul3A_319 = arith.mulf %div3A_309, %broadcast_in_dim3A_141 : vector<200x1xf32>
    %add3A_320 = arith.addf %mul3A_318, %mul3A_319 : vector<200x1xf32>
    %mul3A_321 = arith.mulf %div3A_309, %add3A_192 : vector<200x1xf32>
    %mul3A_322 = arith.mulf %mul3A_310, %add3A_259 : vector<200x1xf32>
    %sub3A_323 = arith.subf %mul3A_321, %mul3A_322 : vector<200x1xf32>
    %mul3A_324 = arith.mulf %mul3A_310, %add3A_192 : vector<200x1xf32>
    %mul3A_325 = arith.mulf %div3A_309, %add3A_259 : vector<200x1xf32>
    %add3A_326 = arith.addf %mul3A_324, %mul3A_325 : vector<200x1xf32>
    %mul3A_327 = arith.mulf %div3A_309, %add3A_198 : vector<200x1xf32>
    %mul3A_328 = arith.mulf %mul3A_310, %add3A_265 : vector<200x1xf32>
    %sub3A_329 = arith.subf %mul3A_327, %mul3A_328 : vector<200x1xf32>
    %mul3A_330 = arith.mulf %mul3A_310, %add3A_198 : vector<200x1xf32>
    %mul3A_331 = arith.mulf %div3A_309, %add3A_265 : vector<200x1xf32>
    %add3A_332 = arith.addf %mul3A_330, %mul3A_331 : vector<200x1xf32>
    %mul3A_333 = arith.mulf %div3A_309, %add3A_204 : vector<200x1xf32>
    %mul3A_334 = arith.mulf %mul3A_310, %add3A_271 : vector<200x1xf32>
    %sub3A_335 = arith.subf %mul3A_333, %mul3A_334 : vector<200x1xf32>
    %mul3A_336 = arith.mulf %mul3A_310, %add3A_204 : vector<200x1xf32>
    %mul3A_337 = arith.mulf %div3A_309, %add3A_271 : vector<200x1xf32>
    %add3A_338 = arith.addf %mul3A_336, %mul3A_337 : vector<200x1xf32>
    %ne3A_339 = arith.constant 0.000000e+00 : f32
    %ne3A_340 = vector.broadcast %ne3A_339 : f32 to vector<200x1xf32>
    %ne3A_341 = arith.cmpf one, %sub3A_317, %ne3A_340 : vector<200x1xf32>
    %mul3A_342 = arith.constant 2.000000e+00 : f32
    %mul3A_343 = vector.broadcast %mul3A_342 : f32 to vector<200x1xf32>
    %mul3A_344 = arith.mulf %mul3A_343, %sub3A_317 : vector<200x1xf32>
    %jit3A_345 = arith.constant 1.000000e+00 : f32
    %broadcast_in_dim3A_346 = vector.broadcast %jit3A_345 : f32 to vector<200x1xf32>
    %select_n3A_347 = arith.select %ne3A_341, %mul3A_344, %broadcast_in_dim3A_346 : vector<200x1xi1>, vector<200x1xf32>
    %sub3A_348 = arith.subf %sub3A_312, %sub3A_245 : vector<200x1xf32>
    %div3A_349 = arith.divf %sub3A_348, %select_n3A_347 : vector<200x1xf32>
    %ge3A_350 = arith.constant 0.000000e+00 : f32
    %ge3A_351 = vector.broadcast %ge3A_350 : f32 to vector<200x1xf32>
    %ge3A_352 = arith.cmpf oge, %div3A_349, %ge3A_351 : vector<200x1xf32>
    %jit3A_353 = arith.constant 1.000000e+00 : f32
    %jit3A_354 = arith.constant -1.000000e+00 : f32
    %broadcast_in_dim3A_355 = vector.broadcast %jit3A_353 : f32 to vector<200x1xf32>
    %broadcast_in_dim3A_356 = vector.broadcast %jit3A_354 : f32 to vector<200x1xf32>
    %select_n3A_357 = arith.select %ge3A_352, %broadcast_in_dim3A_355, %broadcast_in_dim3A_356 : vector<200x1xi1>, vector<200x1xf32>
    %abs3A_358 = math.absf %div3A_349 : vector<200x1xf32>
    %mul3A_359 = arith.mulf %div3A_349, %div3A_349 : vector<200x1xf32>
    %add3A_360 = arith.constant 1.000000e+00 : f32
    %add3A_361 = vector.broadcast %add3A_360 : f32 to vector<200x1xf32>
    %add3A_362 = arith.addf %add3A_361, %mul3A_359 : vector<200x1xf32>
    %sqrt3A_363 = math.sqrt %add3A_362 : vector<200x1xf32>
    %add3A_364 = arith.addf %abs3A_358, %sqrt3A_363 : vector<200x1xf32>
    %div3A_365 = arith.divf %select_n3A_357, %add3A_364 : vector<200x1xf32>
    %jit3A_366 = arith.constant 0.000000e+00 : f32
    %broadcast_in_dim3A_367 = vector.broadcast %jit3A_366 : f32 to vector<200x1xf32>
    %select_n3A_368 = arith.select %ne3A_341, %div3A_365, %broadcast_in_dim3A_367 : vector<200x1xi1>, vector<200x1xf32>
    %mul3A_369 = arith.mulf %select_n3A_368, %select_n3A_368 : vector<200x1xf32>
    %add3A_370 = arith.constant 1.000000e+00 : f32
    %add3A_371 = vector.broadcast %add3A_370 : f32 to vector<200x1xf32>
    %add3A_372 = arith.addf %add3A_371, %mul3A_369 : vector<200x1xf32>
    %sqrt3A_373 = math.sqrt %add3A_372 : vector<200x1xf32>
    %div3A_374 = arith.constant 1.000000e+00 : f32
    %div3A_375 = vector.broadcast %div3A_374 : f32 to vector<200x1xf32>
    %div3A_376 = arith.divf %div3A_375, %sqrt3A_373 : vector<200x1xf32>
    %mul3A_377 = arith.mulf %select_n3A_368, %div3A_376 : vector<200x1xf32>
    %mul3A_378 = arith.mulf %select_n3A_368, %sub3A_317 : vector<200x1xf32>
    %sub3A_379 = arith.subf %sub3A_245, %mul3A_378 : vector<200x1xf32>
    %mul3A_380 = arith.mulf %select_n3A_368, %sub3A_317 : vector<200x1xf32>
    %add3A_381 = arith.addf %sub3A_312, %mul3A_380 : vector<200x1xf32>
    %mul3A_382 = arith.mulf %div3A_376, %add3A_320 : vector<200x1xf32>
    %mul3A_383 = arith.mulf %mul3A_377, %broadcast_in_dim3A_141 : vector<200x1xf32>
    %sub3A_384 = arith.subf %mul3A_382, %mul3A_383 : vector<200x1xf32>
    %mul3A_385 = arith.mulf %mul3A_377, %add3A_320 : vector<200x1xf32>
    %mul3A_386 = arith.mulf %div3A_376, %broadcast_in_dim3A_141 : vector<200x1xf32>
    %add3A_387 = arith.addf %mul3A_385, %mul3A_386 : vector<200x1xf32>
    %mul3A_388 = arith.mulf %div3A_376, %sub3A_256 : vector<200x1xf32>
    %mul3A_389 = arith.mulf %mul3A_377, %sub3A_323 : vector<200x1xf32>
    %sub3A_390 = arith.subf %mul3A_388, %mul3A_389 : vector<200x1xf32>
    %mul3A_391 = arith.mulf %mul3A_377, %sub3A_256 : vector<200x1xf32>
    %mul3A_392 = arith.mulf %div3A_376, %sub3A_323 : vector<200x1xf32>
    %add3A_393 = arith.addf %mul3A_391, %mul3A_392 : vector<200x1xf32>
    %mul3A_394 = arith.mulf %div3A_376, %sub3A_262 : vector<200x1xf32>
    %mul3A_395 = arith.mulf %mul3A_377, %sub3A_329 : vector<200x1xf32>
    %sub3A_396 = arith.subf %mul3A_394, %mul3A_395 : vector<200x1xf32>
    %mul3A_397 = arith.mulf %mul3A_377, %sub3A_262 : vector<200x1xf32>
    %mul3A_398 = arith.mulf %div3A_376, %sub3A_329 : vector<200x1xf32>
    %add3A_399 = arith.addf %mul3A_397, %mul3A_398 : vector<200x1xf32>
    %mul3A_400 = arith.mulf %div3A_376, %sub3A_268 : vector<200x1xf32>
    %mul3A_401 = arith.mulf %mul3A_377, %sub3A_335 : vector<200x1xf32>
    %sub3A_402 = arith.subf %mul3A_400, %mul3A_401 : vector<200x1xf32>
    %mul3A_403 = arith.mulf %mul3A_377, %sub3A_268 : vector<200x1xf32>
    %mul3A_404 = arith.mulf %div3A_376, %sub3A_335 : vector<200x1xf32>
    %add3A_405 = arith.addf %mul3A_403, %mul3A_404 : vector<200x1xf32>
    %ne3A_406 = arith.constant 0.000000e+00 : f32
    %ne3A_407 = vector.broadcast %ne3A_406 : f32 to vector<200x1xf32>
    %ne3A_408 = arith.cmpf one, %sub3A_384, %ne3A_407 : vector<200x1xf32>
    %mul3A_409 = arith.constant 2.000000e+00 : f32
    %mul3A_410 = vector.broadcast %mul3A_409 : f32 to vector<200x1xf32>
    %mul3A_411 = arith.mulf %mul3A_410, %sub3A_384 : vector<200x1xf32>
    %jit3A_412 = arith.constant 1.000000e+00 : f32
    %broadcast_in_dim3A_413 = vector.broadcast %jit3A_412 : f32 to vector<200x1xf32>
    %select_n3A_414 = arith.select %ne3A_408, %mul3A_411, %broadcast_in_dim3A_413 : vector<200x1xi1>, vector<200x1xf32>
    %sub3A_415 = arith.subf %add3A_314, %sub3A_379 : vector<200x1xf32>
    %div3A_416 = arith.divf %sub3A_415, %select_n3A_414 : vector<200x1xf32>
    %ge3A_417 = arith.constant 0.000000e+00 : f32
    %ge3A_418 = vector.broadcast %ge3A_417 : f32 to vector<200x1xf32>
    %ge3A_419 = arith.cmpf oge, %div3A_416, %ge3A_418 : vector<200x1xf32>
    %jit3A_420 = arith.constant 1.000000e+00 : f32
    %jit3A_421 = arith.constant -1.000000e+00 : f32
    %broadcast_in_dim3A_422 = vector.broadcast %jit3A_420 : f32 to vector<200x1xf32>
    %broadcast_in_dim3A_423 = vector.broadcast %jit3A_421 : f32 to vector<200x1xf32>
    %select_n3A_424 = arith.select %ge3A_419, %broadcast_in_dim3A_422, %broadcast_in_dim3A_423 : vector<200x1xi1>, vector<200x1xf32>
    %abs3A_425 = math.absf %div3A_416 : vector<200x1xf32>
    %mul3A_426 = arith.mulf %div3A_416, %div3A_416 : vector<200x1xf32>
    %add3A_427 = arith.constant 1.000000e+00 : f32
    %add3A_428 = vector.broadcast %add3A_427 : f32 to vector<200x1xf32>
    %add3A_429 = arith.addf %add3A_428, %mul3A_426 : vector<200x1xf32>
    %sqrt3A_430 = math.sqrt %add3A_429 : vector<200x1xf32>
    %add3A_431 = arith.addf %abs3A_425, %sqrt3A_430 : vector<200x1xf32>
    %div3A_432 = arith.divf %select_n3A_424, %add3A_431 : vector<200x1xf32>
    %jit3A_433 = arith.constant 0.000000e+00 : f32
    %broadcast_in_dim3A_434 = vector.broadcast %jit3A_433 : f32 to vector<200x1xf32>
    %select_n3A_435 = arith.select %ne3A_408, %div3A_432, %broadcast_in_dim3A_434 : vector<200x1xi1>, vector<200x1xf32>
    %mul3A_436 = arith.mulf %select_n3A_435, %select_n3A_435 : vector<200x1xf32>
    %add3A_437 = arith.constant 1.000000e+00 : f32
    %add3A_438 = vector.broadcast %add3A_437 : f32 to vector<200x1xf32>
    %add3A_439 = arith.addf %add3A_438, %mul3A_436 : vector<200x1xf32>
    %sqrt3A_440 = math.sqrt %add3A_439 : vector<200x1xf32>
    %div3A_441 = arith.constant 1.000000e+00 : f32
    %div3A_442 = vector.broadcast %div3A_441 : f32 to vector<200x1xf32>
    %div3A_443 = arith.divf %div3A_442, %sqrt3A_440 : vector<200x1xf32>
    %mul3A_444 = arith.mulf %select_n3A_435, %div3A_443 : vector<200x1xf32>
    %mul3A_445 = arith.mulf %select_n3A_435, %sub3A_384 : vector<200x1xf32>
    %sub3A_446 = arith.subf %sub3A_379, %mul3A_445 : vector<200x1xf32>
    %mul3A_447 = arith.mulf %select_n3A_435, %sub3A_384 : vector<200x1xf32>
    %add3A_448 = arith.addf %add3A_314, %mul3A_447 : vector<200x1xf32>
    %mul3A_449 = arith.mulf %div3A_443, %broadcast_in_dim3A_141 : vector<200x1xf32>
    %mul3A_450 = arith.mulf %mul3A_444, %add3A_387 : vector<200x1xf32>
    %sub3A_451 = arith.subf %mul3A_449, %mul3A_450 : vector<200x1xf32>
    %mul3A_452 = arith.mulf %mul3A_444, %broadcast_in_dim3A_141 : vector<200x1xf32>
    %mul3A_453 = arith.mulf %div3A_443, %add3A_387 : vector<200x1xf32>
    %add3A_454 = arith.addf %mul3A_452, %mul3A_453 : vector<200x1xf32>
    %mul3A_455 = arith.mulf %div3A_443, %sub3A_390 : vector<200x1xf32>
    %mul3A_456 = arith.mulf %mul3A_444, %add3A_326 : vector<200x1xf32>
    %sub3A_457 = arith.subf %mul3A_455, %mul3A_456 : vector<200x1xf32>
    %mul3A_458 = arith.mulf %mul3A_444, %sub3A_390 : vector<200x1xf32>
    %mul3A_459 = arith.mulf %div3A_443, %add3A_326 : vector<200x1xf32>
    %add3A_460 = arith.addf %mul3A_458, %mul3A_459 : vector<200x1xf32>
    %mul3A_461 = arith.mulf %div3A_443, %sub3A_396 : vector<200x1xf32>
    %mul3A_462 = arith.mulf %mul3A_444, %add3A_332 : vector<200x1xf32>
    %sub3A_463 = arith.subf %mul3A_461, %mul3A_462 : vector<200x1xf32>
    %mul3A_464 = arith.mulf %mul3A_444, %sub3A_396 : vector<200x1xf32>
    %mul3A_465 = arith.mulf %div3A_443, %add3A_332 : vector<200x1xf32>
    %add3A_466 = arith.addf %mul3A_464, %mul3A_465 : vector<200x1xf32>
    %mul3A_467 = arith.mulf %div3A_443, %sub3A_402 : vector<200x1xf32>
    %mul3A_468 = arith.mulf %mul3A_444, %add3A_338 : vector<200x1xf32>
    %sub3A_469 = arith.subf %mul3A_467, %mul3A_468 : vector<200x1xf32>
    %mul3A_470 = arith.mulf %mul3A_444, %sub3A_402 : vector<200x1xf32>
    %mul3A_471 = arith.mulf %div3A_443, %add3A_338 : vector<200x1xf32>
    %add3A_472 = arith.addf %mul3A_470, %mul3A_471 : vector<200x1xf32>
    %ne3A_473 = arith.constant 0.000000e+00 : f32
    %ne3A_474 = vector.broadcast %ne3A_473 : f32 to vector<200x1xf32>
    %ne3A_475 = arith.cmpf one, %add3A_454, %ne3A_474 : vector<200x1xf32>
    %mul3A_476 = arith.constant 2.000000e+00 : f32
    %mul3A_477 = vector.broadcast %mul3A_476 : f32 to vector<200x1xf32>
    %mul3A_478 = arith.mulf %mul3A_477, %add3A_454 : vector<200x1xf32>
    %jit3A_479 = arith.constant 1.000000e+00 : f32
    %broadcast_in_dim3A_480 = vector.broadcast %jit3A_479 : f32 to vector<200x1xf32>
    %select_n3A_481 = arith.select %ne3A_475, %mul3A_478, %broadcast_in_dim3A_480 : vector<200x1xi1>, vector<200x1xf32>
    %sub3A_482 = arith.subf %add3A_448, %add3A_381 : vector<200x1xf32>
    %div3A_483 = arith.divf %sub3A_482, %select_n3A_481 : vector<200x1xf32>
    %ge3A_484 = arith.constant 0.000000e+00 : f32
    %ge3A_485 = vector.broadcast %ge3A_484 : f32 to vector<200x1xf32>
    %ge3A_486 = arith.cmpf oge, %div3A_483, %ge3A_485 : vector<200x1xf32>
    %jit3A_487 = arith.constant 1.000000e+00 : f32
    %jit3A_488 = arith.constant -1.000000e+00 : f32
    %broadcast_in_dim3A_489 = vector.broadcast %jit3A_487 : f32 to vector<200x1xf32>
    %broadcast_in_dim3A_490 = vector.broadcast %jit3A_488 : f32 to vector<200x1xf32>
    %select_n3A_491 = arith.select %ge3A_486, %broadcast_in_dim3A_489, %broadcast_in_dim3A_490 : vector<200x1xi1>, vector<200x1xf32>
    %abs3A_492 = math.absf %div3A_483 : vector<200x1xf32>
    %mul3A_493 = arith.mulf %div3A_483, %div3A_483 : vector<200x1xf32>
    %add3A_494 = arith.constant 1.000000e+00 : f32
    %add3A_495 = vector.broadcast %add3A_494 : f32 to vector<200x1xf32>
    %add3A_496 = arith.addf %add3A_495, %mul3A_493 : vector<200x1xf32>
    %sqrt3A_497 = math.sqrt %add3A_496 : vector<200x1xf32>
    %add3A_498 = arith.addf %abs3A_492, %sqrt3A_497 : vector<200x1xf32>
    %div3A_499 = arith.divf %select_n3A_491, %add3A_498 : vector<200x1xf32>
    %jit3A_500 = arith.constant 0.000000e+00 : f32
    %broadcast_in_dim3A_501 = vector.broadcast %jit3A_500 : f32 to vector<200x1xf32>
    %select_n3A_502 = arith.select %ne3A_475, %div3A_499, %broadcast_in_dim3A_501 : vector<200x1xi1>, vector<200x1xf32>
    %mul3A_503 = arith.mulf %select_n3A_502, %select_n3A_502 : vector<200x1xf32>
    %add3A_504 = arith.constant 1.000000e+00 : f32
    %add3A_505 = vector.broadcast %add3A_504 : f32 to vector<200x1xf32>
    %add3A_506 = arith.addf %add3A_505, %mul3A_503 : vector<200x1xf32>
    %sqrt3A_507 = math.sqrt %add3A_506 : vector<200x1xf32>
    %div3A_508 = arith.constant 1.000000e+00 : f32
    %div3A_509 = vector.broadcast %div3A_508 : f32 to vector<200x1xf32>
    %div3A_510 = arith.divf %div3A_509, %sqrt3A_507 : vector<200x1xf32>
    %mul3A_511 = arith.mulf %select_n3A_502, %div3A_510 : vector<200x1xf32>
    %mul3A_512 = arith.mulf %select_n3A_502, %add3A_454 : vector<200x1xf32>
    %sub3A_513 = arith.subf %add3A_381, %mul3A_512 : vector<200x1xf32>
    %mul3A_514 = arith.mulf %select_n3A_502, %add3A_454 : vector<200x1xf32>
    %add3A_515 = arith.addf %add3A_448, %mul3A_514 : vector<200x1xf32>
    %mul3A_516 = arith.mulf %div3A_510, %sub3A_451 : vector<200x1xf32>
    %mul3A_517 = arith.mulf %mul3A_511, %broadcast_in_dim3A_141 : vector<200x1xf32>
    %sub3A_518 = arith.subf %mul3A_516, %mul3A_517 : vector<200x1xf32>
    %mul3A_519 = arith.mulf %mul3A_511, %sub3A_451 : vector<200x1xf32>
    %mul3A_520 = arith.mulf %div3A_510, %broadcast_in_dim3A_141 : vector<200x1xf32>
    %add3A_521 = arith.addf %mul3A_519, %mul3A_520 : vector<200x1xf32>
    %mul3A_522 = arith.mulf %div3A_510, %add3A_393 : vector<200x1xf32>
    %mul3A_523 = arith.mulf %mul3A_511, %add3A_460 : vector<200x1xf32>
    %sub3A_524 = arith.subf %mul3A_522, %mul3A_523 : vector<200x1xf32>
    %mul3A_525 = arith.mulf %mul3A_511, %add3A_393 : vector<200x1xf32>
    %mul3A_526 = arith.mulf %div3A_510, %add3A_460 : vector<200x1xf32>
    %add3A_527 = arith.addf %mul3A_525, %mul3A_526 : vector<200x1xf32>
    %mul3A_528 = arith.mulf %div3A_510, %add3A_399 : vector<200x1xf32>
    %mul3A_529 = arith.mulf %mul3A_511, %add3A_466 : vector<200x1xf32>
    %sub3A_530 = arith.subf %mul3A_528, %mul3A_529 : vector<200x1xf32>
    %mul3A_531 = arith.mulf %mul3A_511, %add3A_399 : vector<200x1xf32>
    %mul3A_532 = arith.mulf %div3A_510, %add3A_466 : vector<200x1xf32>
    %add3A_533 = arith.addf %mul3A_531, %mul3A_532 : vector<200x1xf32>
    %mul3A_534 = arith.mulf %div3A_510, %add3A_405 : vector<200x1xf32>
    %mul3A_535 = arith.mulf %mul3A_511, %add3A_472 : vector<200x1xf32>
    %sub3A_536 = arith.subf %mul3A_534, %mul3A_535 : vector<200x1xf32>
    %mul3A_537 = arith.mulf %mul3A_511, %add3A_405 : vector<200x1xf32>
    %mul3A_538 = arith.mulf %div3A_510, %add3A_472 : vector<200x1xf32>
    %add3A_539 = arith.addf %mul3A_537, %mul3A_538 : vector<200x1xf32>
    %ne3A_540 = arith.constant 0.000000e+00 : f32
    %ne3A_541 = vector.broadcast %ne3A_540 : f32 to vector<200x1xf32>
    %ne3A_542 = arith.cmpf one, %sub3A_518, %ne3A_541 : vector<200x1xf32>
    %mul3A_543 = arith.constant 2.000000e+00 : f32
    %mul3A_544 = vector.broadcast %mul3A_543 : f32 to vector<200x1xf32>
    %mul3A_545 = arith.mulf %mul3A_544, %sub3A_518 : vector<200x1xf32>
    %jit3A_546 = arith.constant 1.000000e+00 : f32
    %broadcast_in_dim3A_547 = vector.broadcast %jit3A_546 : f32 to vector<200x1xf32>
    %select_n3A_548 = arith.select %ne3A_542, %mul3A_545, %broadcast_in_dim3A_547 : vector<200x1xi1>, vector<200x1xf32>
    %sub3A_549 = arith.subf %sub3A_513, %sub3A_446 : vector<200x1xf32>
    %div3A_550 = arith.divf %sub3A_549, %select_n3A_548 : vector<200x1xf32>
    %ge3A_551 = arith.constant 0.000000e+00 : f32
    %ge3A_552 = vector.broadcast %ge3A_551 : f32 to vector<200x1xf32>
    %ge3A_553 = arith.cmpf oge, %div3A_550, %ge3A_552 : vector<200x1xf32>
    %jit3A_554 = arith.constant 1.000000e+00 : f32
    %jit3A_555 = arith.constant -1.000000e+00 : f32
    %broadcast_in_dim3A_556 = vector.broadcast %jit3A_554 : f32 to vector<200x1xf32>
    %broadcast_in_dim3A_557 = vector.broadcast %jit3A_555 : f32 to vector<200x1xf32>
    %select_n3A_558 = arith.select %ge3A_553, %broadcast_in_dim3A_556, %broadcast_in_dim3A_557 : vector<200x1xi1>, vector<200x1xf32>
    %abs3A_559 = math.absf %div3A_550 : vector<200x1xf32>
    %mul3A_560 = arith.mulf %div3A_550, %div3A_550 : vector<200x1xf32>
    %add3A_561 = arith.constant 1.000000e+00 : f32
    %add3A_562 = vector.broadcast %add3A_561 : f32 to vector<200x1xf32>
    %add3A_563 = arith.addf %add3A_562, %mul3A_560 : vector<200x1xf32>
    %sqrt3A_564 = math.sqrt %add3A_563 : vector<200x1xf32>
    %add3A_565 = arith.addf %abs3A_559, %sqrt3A_564 : vector<200x1xf32>
    %div3A_566 = arith.divf %select_n3A_558, %add3A_565 : vector<200x1xf32>
    %jit3A_567 = arith.constant 0.000000e+00 : f32
    %broadcast_in_dim3A_568 = vector.broadcast %jit3A_567 : f32 to vector<200x1xf32>
    %select_n3A_569 = arith.select %ne3A_542, %div3A_566, %broadcast_in_dim3A_568 : vector<200x1xi1>, vector<200x1xf32>
    %mul3A_570 = arith.mulf %select_n3A_569, %select_n3A_569 : vector<200x1xf32>
    %add3A_571 = arith.constant 1.000000e+00 : f32
    %add3A_572 = vector.broadcast %add3A_571 : f32 to vector<200x1xf32>
    %add3A_573 = arith.addf %add3A_572, %mul3A_570 : vector<200x1xf32>
    %sqrt3A_574 = math.sqrt %add3A_573 : vector<200x1xf32>
    %div3A_575 = arith.constant 1.000000e+00 : f32
    %div3A_576 = vector.broadcast %div3A_575 : f32 to vector<200x1xf32>
    %div3A_577 = arith.divf %div3A_576, %sqrt3A_574 : vector<200x1xf32>
    %mul3A_578 = arith.mulf %select_n3A_569, %div3A_577 : vector<200x1xf32>
    %mul3A_579 = arith.mulf %select_n3A_569, %sub3A_518 : vector<200x1xf32>
    %sub3A_580 = arith.subf %sub3A_446, %mul3A_579 : vector<200x1xf32>
    %mul3A_581 = arith.mulf %select_n3A_569, %sub3A_518 : vector<200x1xf32>
    %add3A_582 = arith.addf %sub3A_513, %mul3A_581 : vector<200x1xf32>
    %mul3A_583 = arith.mulf %div3A_577, %add3A_521 : vector<200x1xf32>
    %mul3A_584 = arith.mulf %mul3A_578, %broadcast_in_dim3A_141 : vector<200x1xf32>
    %sub3A_585 = arith.subf %mul3A_583, %mul3A_584 : vector<200x1xf32>
    %mul3A_586 = arith.mulf %mul3A_578, %add3A_521 : vector<200x1xf32>
    %mul3A_587 = arith.mulf %div3A_577, %broadcast_in_dim3A_141 : vector<200x1xf32>
    %add3A_588 = arith.addf %mul3A_586, %mul3A_587 : vector<200x1xf32>
    %mul3A_589 = arith.mulf %div3A_577, %sub3A_457 : vector<200x1xf32>
    %mul3A_590 = arith.mulf %mul3A_578, %sub3A_524 : vector<200x1xf32>
    %sub3A_591 = arith.subf %mul3A_589, %mul3A_590 : vector<200x1xf32>
    %mul3A_592 = arith.mulf %mul3A_578, %sub3A_457 : vector<200x1xf32>
    %mul3A_593 = arith.mulf %div3A_577, %sub3A_524 : vector<200x1xf32>
    %add3A_594 = arith.addf %mul3A_592, %mul3A_593 : vector<200x1xf32>
    %mul3A_595 = arith.mulf %div3A_577, %sub3A_463 : vector<200x1xf32>
    %mul3A_596 = arith.mulf %mul3A_578, %sub3A_530 : vector<200x1xf32>
    %sub3A_597 = arith.subf %mul3A_595, %mul3A_596 : vector<200x1xf32>
    %mul3A_598 = arith.mulf %mul3A_578, %sub3A_463 : vector<200x1xf32>
    %mul3A_599 = arith.mulf %div3A_577, %sub3A_530 : vector<200x1xf32>
    %add3A_600 = arith.addf %mul3A_598, %mul3A_599 : vector<200x1xf32>
    %mul3A_601 = arith.mulf %div3A_577, %sub3A_469 : vector<200x1xf32>
    %mul3A_602 = arith.mulf %mul3A_578, %sub3A_536 : vector<200x1xf32>
    %sub3A_603 = arith.subf %mul3A_601, %mul3A_602 : vector<200x1xf32>
    %mul3A_604 = arith.mulf %mul3A_578, %sub3A_469 : vector<200x1xf32>
    %mul3A_605 = arith.mulf %div3A_577, %sub3A_536 : vector<200x1xf32>
    %add3A_606 = arith.addf %mul3A_604, %mul3A_605 : vector<200x1xf32>
    %ne3A_607 = arith.constant 0.000000e+00 : f32
    %ne3A_608 = vector.broadcast %ne3A_607 : f32 to vector<200x1xf32>
    %ne3A_609 = arith.cmpf one, %sub3A_585, %ne3A_608 : vector<200x1xf32>
    %mul3A_610 = arith.constant 2.000000e+00 : f32
    %mul3A_611 = vector.broadcast %mul3A_610 : f32 to vector<200x1xf32>
    %mul3A_612 = arith.mulf %mul3A_611, %sub3A_585 : vector<200x1xf32>
    %jit3A_613 = arith.constant 1.000000e+00 : f32
    %broadcast_in_dim3A_614 = vector.broadcast %jit3A_613 : f32 to vector<200x1xf32>
    %select_n3A_615 = arith.select %ne3A_609, %mul3A_612, %broadcast_in_dim3A_614 : vector<200x1xi1>, vector<200x1xf32>
    %sub3A_616 = arith.subf %add3A_515, %sub3A_580 : vector<200x1xf32>
    %div3A_617 = arith.divf %sub3A_616, %select_n3A_615 : vector<200x1xf32>
    %ge3A_618 = arith.constant 0.000000e+00 : f32
    %ge3A_619 = vector.broadcast %ge3A_618 : f32 to vector<200x1xf32>
    %ge3A_620 = arith.cmpf oge, %div3A_617, %ge3A_619 : vector<200x1xf32>
    %jit3A_621 = arith.constant 1.000000e+00 : f32
    %jit3A_622 = arith.constant -1.000000e+00 : f32
    %broadcast_in_dim3A_623 = vector.broadcast %jit3A_621 : f32 to vector<200x1xf32>
    %broadcast_in_dim3A_624 = vector.broadcast %jit3A_622 : f32 to vector<200x1xf32>
    %select_n3A_625 = arith.select %ge3A_620, %broadcast_in_dim3A_623, %broadcast_in_dim3A_624 : vector<200x1xi1>, vector<200x1xf32>
    %abs3A_626 = math.absf %div3A_617 : vector<200x1xf32>
    %mul3A_627 = arith.mulf %div3A_617, %div3A_617 : vector<200x1xf32>
    %add3A_628 = arith.constant 1.000000e+00 : f32
    %add3A_629 = vector.broadcast %add3A_628 : f32 to vector<200x1xf32>
    %add3A_630 = arith.addf %add3A_629, %mul3A_627 : vector<200x1xf32>
    %sqrt3A_631 = math.sqrt %add3A_630 : vector<200x1xf32>
    %add3A_632 = arith.addf %abs3A_626, %sqrt3A_631 : vector<200x1xf32>
    %div3A_633 = arith.divf %select_n3A_625, %add3A_632 : vector<200x1xf32>
    %jit3A_634 = arith.constant 0.000000e+00 : f32
    %broadcast_in_dim3A_635 = vector.broadcast %jit3A_634 : f32 to vector<200x1xf32>
    %select_n3A_636 = arith.select %ne3A_609, %div3A_633, %broadcast_in_dim3A_635 : vector<200x1xi1>, vector<200x1xf32>
    %mul3A_637 = arith.mulf %select_n3A_636, %select_n3A_636 : vector<200x1xf32>
    %add3A_638 = arith.constant 1.000000e+00 : f32
    %add3A_639 = vector.broadcast %add3A_638 : f32 to vector<200x1xf32>
    %add3A_640 = arith.addf %add3A_639, %mul3A_637 : vector<200x1xf32>
    %sqrt3A_641 = math.sqrt %add3A_640 : vector<200x1xf32>
    %div3A_642 = arith.constant 1.000000e+00 : f32
    %div3A_643 = vector.broadcast %div3A_642 : f32 to vector<200x1xf32>
    %div3A_644 = arith.divf %div3A_643, %sqrt3A_641 : vector<200x1xf32>
    %mul3A_645 = arith.mulf %select_n3A_636, %div3A_644 : vector<200x1xf32>
    %mul3A_646 = arith.mulf %select_n3A_636, %sub3A_585 : vector<200x1xf32>
    %sub3A_647 = arith.subf %sub3A_580, %mul3A_646 : vector<200x1xf32>
    %mul3A_648 = arith.mulf %select_n3A_636, %sub3A_585 : vector<200x1xf32>
    %add3A_649 = arith.addf %add3A_515, %mul3A_648 : vector<200x1xf32>
    %mul3A_650 = arith.mulf %div3A_644, %broadcast_in_dim3A_141 : vector<200x1xf32>
    %mul3A_651 = arith.mulf %mul3A_645, %add3A_588 : vector<200x1xf32>
    %sub3A_652 = arith.subf %mul3A_650, %mul3A_651 : vector<200x1xf32>
    %mul3A_653 = arith.mulf %mul3A_645, %broadcast_in_dim3A_141 : vector<200x1xf32>
    %mul3A_654 = arith.mulf %div3A_644, %add3A_588 : vector<200x1xf32>
    %add3A_655 = arith.addf %mul3A_653, %mul3A_654 : vector<200x1xf32>
    %mul3A_656 = arith.mulf %div3A_644, %sub3A_591 : vector<200x1xf32>
    %mul3A_657 = arith.mulf %mul3A_645, %add3A_527 : vector<200x1xf32>
    %sub3A_658 = arith.subf %mul3A_656, %mul3A_657 : vector<200x1xf32>
    %mul3A_659 = arith.mulf %mul3A_645, %sub3A_591 : vector<200x1xf32>
    %mul3A_660 = arith.mulf %div3A_644, %add3A_527 : vector<200x1xf32>
    %add3A_661 = arith.addf %mul3A_659, %mul3A_660 : vector<200x1xf32>
    %mul3A_662 = arith.mulf %div3A_644, %sub3A_597 : vector<200x1xf32>
    %mul3A_663 = arith.mulf %mul3A_645, %add3A_533 : vector<200x1xf32>
    %sub3A_664 = arith.subf %mul3A_662, %mul3A_663 : vector<200x1xf32>
    %mul3A_665 = arith.mulf %mul3A_645, %sub3A_597 : vector<200x1xf32>
    %mul3A_666 = arith.mulf %div3A_644, %add3A_533 : vector<200x1xf32>
    %add3A_667 = arith.addf %mul3A_665, %mul3A_666 : vector<200x1xf32>
    %mul3A_668 = arith.mulf %div3A_644, %sub3A_603 : vector<200x1xf32>
    %mul3A_669 = arith.mulf %mul3A_645, %add3A_539 : vector<200x1xf32>
    %sub3A_670 = arith.subf %mul3A_668, %mul3A_669 : vector<200x1xf32>
    %mul3A_671 = arith.mulf %mul3A_645, %sub3A_603 : vector<200x1xf32>
    %mul3A_672 = arith.mulf %div3A_644, %add3A_539 : vector<200x1xf32>
    %add3A_673 = arith.addf %mul3A_671, %mul3A_672 : vector<200x1xf32>
    %ne3A_674 = arith.constant 0.000000e+00 : f32
    %ne3A_675 = vector.broadcast %ne3A_674 : f32 to vector<200x1xf32>
    %ne3A_676 = arith.cmpf one, %add3A_655, %ne3A_675 : vector<200x1xf32>
    %mul3A_677 = arith.constant 2.000000e+00 : f32
    %mul3A_678 = vector.broadcast %mul3A_677 : f32 to vector<200x1xf32>
    %mul3A_679 = arith.mulf %mul3A_678, %add3A_655 : vector<200x1xf32>
    %jit3A_680 = arith.constant 1.000000e+00 : f32
    %broadcast_in_dim3A_681 = vector.broadcast %jit3A_680 : f32 to vector<200x1xf32>
    %select_n3A_682 = arith.select %ne3A_676, %mul3A_679, %broadcast_in_dim3A_681 : vector<200x1xi1>, vector<200x1xf32>
    %sub3A_683 = arith.subf %add3A_649, %add3A_582 : vector<200x1xf32>
    %div3A_684 = arith.divf %sub3A_683, %select_n3A_682 : vector<200x1xf32>
    %ge3A_685 = arith.constant 0.000000e+00 : f32
    %ge3A_686 = vector.broadcast %ge3A_685 : f32 to vector<200x1xf32>
    %ge3A_687 = arith.cmpf oge, %div3A_684, %ge3A_686 : vector<200x1xf32>
    %jit3A_688 = arith.constant 1.000000e+00 : f32
    %jit3A_689 = arith.constant -1.000000e+00 : f32
    %broadcast_in_dim3A_690 = vector.broadcast %jit3A_688 : f32 to vector<200x1xf32>
    %broadcast_in_dim3A_691 = vector.broadcast %jit3A_689 : f32 to vector<200x1xf32>
    %select_n3A_692 = arith.select %ge3A_687, %broadcast_in_dim3A_690, %broadcast_in_dim3A_691 : vector<200x1xi1>, vector<200x1xf32>
    %abs3A_693 = math.absf %div3A_684 : vector<200x1xf32>
    %mul3A_694 = arith.mulf %div3A_684, %div3A_684 : vector<200x1xf32>
    %add3A_695 = arith.constant 1.000000e+00 : f32
    %add3A_696 = vector.broadcast %add3A_695 : f32 to vector<200x1xf32>
    %add3A_697 = arith.addf %add3A_696, %mul3A_694 : vector<200x1xf32>
    %sqrt3A_698 = math.sqrt %add3A_697 : vector<200x1xf32>
    %add3A_699 = arith.addf %abs3A_693, %sqrt3A_698 : vector<200x1xf32>
    %div3A_700 = arith.divf %select_n3A_692, %add3A_699 : vector<200x1xf32>
    %jit3A_701 = arith.constant 0.000000e+00 : f32
    %broadcast_in_dim3A_702 = vector.broadcast %jit3A_701 : f32 to vector<200x1xf32>
    %select_n3A_703 = arith.select %ne3A_676, %div3A_700, %broadcast_in_dim3A_702 : vector<200x1xi1>, vector<200x1xf32>
    %mul3A_704 = arith.mulf %select_n3A_703, %select_n3A_703 : vector<200x1xf32>
    %add3A_705 = arith.constant 1.000000e+00 : f32
    %add3A_706 = vector.broadcast %add3A_705 : f32 to vector<200x1xf32>
    %add3A_707 = arith.addf %add3A_706, %mul3A_704 : vector<200x1xf32>
    %sqrt3A_708 = math.sqrt %add3A_707 : vector<200x1xf32>
    %div3A_709 = arith.constant 1.000000e+00 : f32
    %div3A_710 = vector.broadcast %div3A_709 : f32 to vector<200x1xf32>
    %div3A_711 = arith.divf %div3A_710, %sqrt3A_708 : vector<200x1xf32>
    %mul3A_712 = arith.mulf %select_n3A_703, %div3A_711 : vector<200x1xf32>
    %mul3A_713 = arith.mulf %select_n3A_703, %add3A_655 : vector<200x1xf32>
    %sub3A_714 = arith.subf %add3A_582, %mul3A_713 : vector<200x1xf32>
    %mul3A_715 = arith.mulf %select_n3A_703, %add3A_655 : vector<200x1xf32>
    %add3A_716 = arith.addf %add3A_649, %mul3A_715 : vector<200x1xf32>
    %mul3A_717 = arith.mulf %div3A_711, %sub3A_652 : vector<200x1xf32>
    %mul3A_718 = arith.mulf %mul3A_712, %broadcast_in_dim3A_141 : vector<200x1xf32>
    %sub3A_719 = arith.subf %mul3A_717, %mul3A_718 : vector<200x1xf32>
    %mul3A_720 = arith.mulf %mul3A_712, %sub3A_652 : vector<200x1xf32>
    %mul3A_721 = arith.mulf %div3A_711, %broadcast_in_dim3A_141 : vector<200x1xf32>
    %add3A_722 = arith.addf %mul3A_720, %mul3A_721 : vector<200x1xf32>
    %mul3A_723 = arith.mulf %div3A_711, %add3A_594 : vector<200x1xf32>
    %mul3A_724 = arith.mulf %mul3A_712, %add3A_661 : vector<200x1xf32>
    %sub3A_725 = arith.subf %mul3A_723, %mul3A_724 : vector<200x1xf32>
    %mul3A_726 = arith.mulf %mul3A_712, %add3A_594 : vector<200x1xf32>
    %mul3A_727 = arith.mulf %div3A_711, %add3A_661 : vector<200x1xf32>
    %add3A_728 = arith.addf %mul3A_726, %mul3A_727 : vector<200x1xf32>
    %mul3A_729 = arith.mulf %div3A_711, %add3A_600 : vector<200x1xf32>
    %mul3A_730 = arith.mulf %mul3A_712, %add3A_667 : vector<200x1xf32>
    %sub3A_731 = arith.subf %mul3A_729, %mul3A_730 : vector<200x1xf32>
    %mul3A_732 = arith.mulf %mul3A_712, %add3A_600 : vector<200x1xf32>
    %mul3A_733 = arith.mulf %div3A_711, %add3A_667 : vector<200x1xf32>
    %add3A_734 = arith.addf %mul3A_732, %mul3A_733 : vector<200x1xf32>
    %mul3A_735 = arith.mulf %div3A_711, %add3A_606 : vector<200x1xf32>
    %mul3A_736 = arith.mulf %mul3A_712, %add3A_673 : vector<200x1xf32>
    %sub3A_737 = arith.subf %mul3A_735, %mul3A_736 : vector<200x1xf32>
    %mul3A_738 = arith.mulf %mul3A_712, %add3A_606 : vector<200x1xf32>
    %mul3A_739 = arith.mulf %div3A_711, %add3A_673 : vector<200x1xf32>
    %add3A_740 = arith.addf %mul3A_738, %mul3A_739 : vector<200x1xf32>
    %ne3A_741 = arith.constant 0.000000e+00 : f32
    %ne3A_742 = vector.broadcast %ne3A_741 : f32 to vector<200x1xf32>
    %ne3A_743 = arith.cmpf one, %sub3A_719, %ne3A_742 : vector<200x1xf32>
    %mul3A_744 = arith.constant 2.000000e+00 : f32
    %mul3A_745 = vector.broadcast %mul3A_744 : f32 to vector<200x1xf32>
    %mul3A_746 = arith.mulf %mul3A_745, %sub3A_719 : vector<200x1xf32>
    %jit3A_747 = arith.constant 1.000000e+00 : f32
    %broadcast_in_dim3A_748 = vector.broadcast %jit3A_747 : f32 to vector<200x1xf32>
    %select_n3A_749 = arith.select %ne3A_743, %mul3A_746, %broadcast_in_dim3A_748 : vector<200x1xi1>, vector<200x1xf32>
    %sub3A_750 = arith.subf %sub3A_714, %sub3A_647 : vector<200x1xf32>
    %div3A_751 = arith.divf %sub3A_750, %select_n3A_749 : vector<200x1xf32>
    %ge3A_752 = arith.constant 0.000000e+00 : f32
    %ge3A_753 = vector.broadcast %ge3A_752 : f32 to vector<200x1xf32>
    %ge3A_754 = arith.cmpf oge, %div3A_751, %ge3A_753 : vector<200x1xf32>
    %jit3A_755 = arith.constant 1.000000e+00 : f32
    %jit3A_756 = arith.constant -1.000000e+00 : f32
    %broadcast_in_dim3A_757 = vector.broadcast %jit3A_755 : f32 to vector<200x1xf32>
    %broadcast_in_dim3A_758 = vector.broadcast %jit3A_756 : f32 to vector<200x1xf32>
    %select_n3A_759 = arith.select %ge3A_754, %broadcast_in_dim3A_757, %broadcast_in_dim3A_758 : vector<200x1xi1>, vector<200x1xf32>
    %abs3A_760 = math.absf %div3A_751 : vector<200x1xf32>
    %mul3A_761 = arith.mulf %div3A_751, %div3A_751 : vector<200x1xf32>
    %add3A_762 = arith.constant 1.000000e+00 : f32
    %add3A_763 = vector.broadcast %add3A_762 : f32 to vector<200x1xf32>
    %add3A_764 = arith.addf %add3A_763, %mul3A_761 : vector<200x1xf32>
    %sqrt3A_765 = math.sqrt %add3A_764 : vector<200x1xf32>
    %add3A_766 = arith.addf %abs3A_760, %sqrt3A_765 : vector<200x1xf32>
    %div3A_767 = arith.divf %select_n3A_759, %add3A_766 : vector<200x1xf32>
    %jit3A_768 = arith.constant 0.000000e+00 : f32
    %broadcast_in_dim3A_769 = vector.broadcast %jit3A_768 : f32 to vector<200x1xf32>
    %select_n3A_770 = arith.select %ne3A_743, %div3A_767, %broadcast_in_dim3A_769 : vector<200x1xi1>, vector<200x1xf32>
    %mul3A_771 = arith.mulf %select_n3A_770, %select_n3A_770 : vector<200x1xf32>
    %add3A_772 = arith.constant 1.000000e+00 : f32
    %add3A_773 = vector.broadcast %add3A_772 : f32 to vector<200x1xf32>
    %add3A_774 = arith.addf %add3A_773, %mul3A_771 : vector<200x1xf32>
    %sqrt3A_775 = math.sqrt %add3A_774 : vector<200x1xf32>
    %div3A_776 = arith.constant 1.000000e+00 : f32
    %div3A_777 = vector.broadcast %div3A_776 : f32 to vector<200x1xf32>
    %div3A_778 = arith.divf %div3A_777, %sqrt3A_775 : vector<200x1xf32>
    %mul3A_779 = arith.mulf %select_n3A_770, %div3A_778 : vector<200x1xf32>
    %mul3A_780 = arith.mulf %select_n3A_770, %sub3A_719 : vector<200x1xf32>
    %sub3A_781 = arith.subf %sub3A_647, %mul3A_780 : vector<200x1xf32>
    %mul3A_782 = arith.mulf %select_n3A_770, %sub3A_719 : vector<200x1xf32>
    %add3A_783 = arith.addf %sub3A_714, %mul3A_782 : vector<200x1xf32>
    %mul3A_784 = arith.mulf %div3A_778, %add3A_722 : vector<200x1xf32>
    %mul3A_785 = arith.mulf %mul3A_779, %broadcast_in_dim3A_141 : vector<200x1xf32>
    %sub3A_786 = arith.subf %mul3A_784, %mul3A_785 : vector<200x1xf32>
    %mul3A_787 = arith.mulf %mul3A_779, %add3A_722 : vector<200x1xf32>
    %mul3A_788 = arith.mulf %div3A_778, %broadcast_in_dim3A_141 : vector<200x1xf32>
    %add3A_789 = arith.addf %mul3A_787, %mul3A_788 : vector<200x1xf32>
    %mul3A_790 = arith.mulf %div3A_778, %sub3A_658 : vector<200x1xf32>
    %mul3A_791 = arith.mulf %mul3A_779, %sub3A_725 : vector<200x1xf32>
    %sub3A_792 = arith.subf %mul3A_790, %mul3A_791 : vector<200x1xf32>
    %mul3A_793 = arith.mulf %mul3A_779, %sub3A_658 : vector<200x1xf32>
    %mul3A_794 = arith.mulf %div3A_778, %sub3A_725 : vector<200x1xf32>
    %add3A_795 = arith.addf %mul3A_793, %mul3A_794 : vector<200x1xf32>
    %mul3A_796 = arith.mulf %div3A_778, %sub3A_664 : vector<200x1xf32>
    %mul3A_797 = arith.mulf %mul3A_779, %sub3A_731 : vector<200x1xf32>
    %sub3A_798 = arith.subf %mul3A_796, %mul3A_797 : vector<200x1xf32>
    %mul3A_799 = arith.mulf %mul3A_779, %sub3A_664 : vector<200x1xf32>
    %mul3A_800 = arith.mulf %div3A_778, %sub3A_731 : vector<200x1xf32>
    %add3A_801 = arith.addf %mul3A_799, %mul3A_800 : vector<200x1xf32>
    %mul3A_802 = arith.mulf %div3A_778, %sub3A_670 : vector<200x1xf32>
    %mul3A_803 = arith.mulf %mul3A_779, %sub3A_737 : vector<200x1xf32>
    %sub3A_804 = arith.subf %mul3A_802, %mul3A_803 : vector<200x1xf32>
    %mul3A_805 = arith.mulf %mul3A_779, %sub3A_670 : vector<200x1xf32>
    %mul3A_806 = arith.mulf %div3A_778, %sub3A_737 : vector<200x1xf32>
    %add3A_807 = arith.addf %mul3A_805, %mul3A_806 : vector<200x1xf32>
    %ne3A_808 = arith.constant 0.000000e+00 : f32
    %ne3A_809 = vector.broadcast %ne3A_808 : f32 to vector<200x1xf32>
    %ne3A_810 = arith.cmpf one, %sub3A_786, %ne3A_809 : vector<200x1xf32>
    %mul3A_811 = arith.constant 2.000000e+00 : f32
    %mul3A_812 = vector.broadcast %mul3A_811 : f32 to vector<200x1xf32>
    %mul3A_813 = arith.mulf %mul3A_812, %sub3A_786 : vector<200x1xf32>
    %jit3A_814 = arith.constant 1.000000e+00 : f32
    %broadcast_in_dim3A_815 = vector.broadcast %jit3A_814 : f32 to vector<200x1xf32>
    %select_n3A_816 = arith.select %ne3A_810, %mul3A_813, %broadcast_in_dim3A_815 : vector<200x1xi1>, vector<200x1xf32>
    %sub3A_817 = arith.subf %add3A_716, %sub3A_781 : vector<200x1xf32>
    %div3A_818 = arith.divf %sub3A_817, %select_n3A_816 : vector<200x1xf32>
    %ge3A_819 = arith.constant 0.000000e+00 : f32
    %ge3A_820 = vector.broadcast %ge3A_819 : f32 to vector<200x1xf32>
    %ge3A_821 = arith.cmpf oge, %div3A_818, %ge3A_820 : vector<200x1xf32>
    %jit3A_822 = arith.constant 1.000000e+00 : f32
    %jit3A_823 = arith.constant -1.000000e+00 : f32
    %broadcast_in_dim3A_824 = vector.broadcast %jit3A_822 : f32 to vector<200x1xf32>
    %broadcast_in_dim3A_825 = vector.broadcast %jit3A_823 : f32 to vector<200x1xf32>
    %select_n3A_826 = arith.select %ge3A_821, %broadcast_in_dim3A_824, %broadcast_in_dim3A_825 : vector<200x1xi1>, vector<200x1xf32>
    %abs3A_827 = math.absf %div3A_818 : vector<200x1xf32>
    %mul3A_828 = arith.mulf %div3A_818, %div3A_818 : vector<200x1xf32>
    %add3A_829 = arith.constant 1.000000e+00 : f32
    %add3A_830 = vector.broadcast %add3A_829 : f32 to vector<200x1xf32>
    %add3A_831 = arith.addf %add3A_830, %mul3A_828 : vector<200x1xf32>
    %sqrt3A_832 = math.sqrt %add3A_831 : vector<200x1xf32>
    %add3A_833 = arith.addf %abs3A_827, %sqrt3A_832 : vector<200x1xf32>
    %div3A_834 = arith.divf %select_n3A_826, %add3A_833 : vector<200x1xf32>
    %jit3A_835 = arith.constant 0.000000e+00 : f32
    %broadcast_in_dim3A_836 = vector.broadcast %jit3A_835 : f32 to vector<200x1xf32>
    %select_n3A_837 = arith.select %ne3A_810, %div3A_834, %broadcast_in_dim3A_836 : vector<200x1xi1>, vector<200x1xf32>
    %mul3A_838 = arith.mulf %select_n3A_837, %select_n3A_837 : vector<200x1xf32>
    %add3A_839 = arith.constant 1.000000e+00 : f32
    %add3A_840 = vector.broadcast %add3A_839 : f32 to vector<200x1xf32>
    %add3A_841 = arith.addf %add3A_840, %mul3A_838 : vector<200x1xf32>
    %sqrt3A_842 = math.sqrt %add3A_841 : vector<200x1xf32>
    %div3A_843 = arith.constant 1.000000e+00 : f32
    %div3A_844 = vector.broadcast %div3A_843 : f32 to vector<200x1xf32>
    %div3A_845 = arith.divf %div3A_844, %sqrt3A_842 : vector<200x1xf32>
    %mul3A_846 = arith.mulf %select_n3A_837, %div3A_845 : vector<200x1xf32>
    %mul3A_847 = arith.mulf %select_n3A_837, %sub3A_786 : vector<200x1xf32>
    %sub3A_848 = arith.subf %sub3A_781, %mul3A_847 : vector<200x1xf32>
    %mul3A_849 = arith.mulf %select_n3A_837, %sub3A_786 : vector<200x1xf32>
    %add3A_850 = arith.addf %add3A_716, %mul3A_849 : vector<200x1xf32>
    %mul3A_851 = arith.mulf %mul3A_846, %broadcast_in_dim3A_141 : vector<200x1xf32>
    %mul3A_852 = arith.mulf %div3A_845, %add3A_789 : vector<200x1xf32>
    %add3A_853 = arith.addf %mul3A_851, %mul3A_852 : vector<200x1xf32>
    %mul3A_854 = arith.mulf %div3A_845, %sub3A_792 : vector<200x1xf32>
    %mul3A_855 = arith.mulf %mul3A_846, %add3A_728 : vector<200x1xf32>
    %sub3A_856 = arith.subf %mul3A_854, %mul3A_855 : vector<200x1xf32>
    %mul3A_857 = arith.mulf %mul3A_846, %sub3A_792 : vector<200x1xf32>
    %mul3A_858 = arith.mulf %div3A_845, %add3A_728 : vector<200x1xf32>
    %add3A_859 = arith.addf %mul3A_857, %mul3A_858 : vector<200x1xf32>
    %mul3A_860 = arith.mulf %div3A_845, %sub3A_798 : vector<200x1xf32>
    %mul3A_861 = arith.mulf %mul3A_846, %add3A_734 : vector<200x1xf32>
    %sub3A_862 = arith.subf %mul3A_860, %mul3A_861 : vector<200x1xf32>
    %mul3A_863 = arith.mulf %mul3A_846, %sub3A_798 : vector<200x1xf32>
    %mul3A_864 = arith.mulf %div3A_845, %add3A_734 : vector<200x1xf32>
    %add3A_865 = arith.addf %mul3A_863, %mul3A_864 : vector<200x1xf32>
    %mul3A_866 = arith.mulf %div3A_845, %sub3A_804 : vector<200x1xf32>
    %mul3A_867 = arith.mulf %mul3A_846, %add3A_740 : vector<200x1xf32>
    %sub3A_868 = arith.subf %mul3A_866, %mul3A_867 : vector<200x1xf32>
    %mul3A_869 = arith.mulf %mul3A_846, %sub3A_804 : vector<200x1xf32>
    %mul3A_870 = arith.mulf %div3A_845, %add3A_740 : vector<200x1xf32>
    %add3A_871 = arith.addf %mul3A_869, %mul3A_870 : vector<200x1xf32>
    %ne3A_872 = arith.constant 0.000000e+00 : f32
    %ne3A_873 = vector.broadcast %ne3A_872 : f32 to vector<200x1xf32>
    %ne3A_874 = arith.cmpf one, %add3A_853, %ne3A_873 : vector<200x1xf32>
    %mul3A_875 = arith.constant 2.000000e+00 : f32
    %mul3A_876 = vector.broadcast %mul3A_875 : f32 to vector<200x1xf32>
    %mul3A_877 = arith.mulf %mul3A_876, %add3A_853 : vector<200x1xf32>
    %jit3A_878 = arith.constant 1.000000e+00 : f32
    %broadcast_in_dim3A_879 = vector.broadcast %jit3A_878 : f32 to vector<200x1xf32>
    %select_n3A_880 = arith.select %ne3A_874, %mul3A_877, %broadcast_in_dim3A_879 : vector<200x1xi1>, vector<200x1xf32>
    %sub3A_881 = arith.subf %add3A_850, %add3A_783 : vector<200x1xf32>
    %div3A_882 = arith.divf %sub3A_881, %select_n3A_880 : vector<200x1xf32>
    %ge3A_883 = arith.constant 0.000000e+00 : f32
    %ge3A_884 = vector.broadcast %ge3A_883 : f32 to vector<200x1xf32>
    %ge3A_885 = arith.cmpf oge, %div3A_882, %ge3A_884 : vector<200x1xf32>
    %jit3A_886 = arith.constant 1.000000e+00 : f32
    %jit3A_887 = arith.constant -1.000000e+00 : f32
    %broadcast_in_dim3A_888 = vector.broadcast %jit3A_886 : f32 to vector<200x1xf32>
    %broadcast_in_dim3A_889 = vector.broadcast %jit3A_887 : f32 to vector<200x1xf32>
    %select_n3A_890 = arith.select %ge3A_885, %broadcast_in_dim3A_888, %broadcast_in_dim3A_889 : vector<200x1xi1>, vector<200x1xf32>
    %abs3A_891 = math.absf %div3A_882 : vector<200x1xf32>
    %mul3A_892 = arith.mulf %div3A_882, %div3A_882 : vector<200x1xf32>
    %add3A_893 = arith.constant 1.000000e+00 : f32
    %add3A_894 = vector.broadcast %add3A_893 : f32 to vector<200x1xf32>
    %add3A_895 = arith.addf %add3A_894, %mul3A_892 : vector<200x1xf32>
    %sqrt3A_896 = math.sqrt %add3A_895 : vector<200x1xf32>
    %add3A_897 = arith.addf %abs3A_891, %sqrt3A_896 : vector<200x1xf32>
    %div3A_898 = arith.divf %select_n3A_890, %add3A_897 : vector<200x1xf32>
    %jit3A_899 = arith.constant 0.000000e+00 : f32
    %broadcast_in_dim3A_900 = vector.broadcast %jit3A_899 : f32 to vector<200x1xf32>
    %select_n3A_901 = arith.select %ne3A_874, %div3A_898, %broadcast_in_dim3A_900 : vector<200x1xi1>, vector<200x1xf32>
    %mul3A_902 = arith.mulf %select_n3A_901, %select_n3A_901 : vector<200x1xf32>
    %add3A_903 = arith.constant 1.000000e+00 : f32
    %add3A_904 = vector.broadcast %add3A_903 : f32 to vector<200x1xf32>
    %add3A_905 = arith.addf %add3A_904, %mul3A_902 : vector<200x1xf32>
    %sqrt3A_906 = math.sqrt %add3A_905 : vector<200x1xf32>
    %div3A_907 = arith.constant 1.000000e+00 : f32
    %div3A_908 = vector.broadcast %div3A_907 : f32 to vector<200x1xf32>
    %div3A_909 = arith.divf %div3A_908, %sqrt3A_906 : vector<200x1xf32>
    %mul3A_910 = arith.mulf %select_n3A_901, %div3A_909 : vector<200x1xf32>
    %mul3A_911 = arith.mulf %select_n3A_901, %add3A_853 : vector<200x1xf32>
    %sub3A_912 = arith.subf %add3A_783, %mul3A_911 : vector<200x1xf32>
    %mul3A_913 = arith.mulf %select_n3A_901, %add3A_853 : vector<200x1xf32>
    %add3A_914 = arith.addf %add3A_850, %mul3A_913 : vector<200x1xf32>
    %mul3A_915 = arith.mulf %div3A_909, %add3A_795 : vector<200x1xf32>
    %mul3A_916 = arith.mulf %mul3A_910, %add3A_859 : vector<200x1xf32>
    %sub3A_917 = arith.subf %mul3A_915, %mul3A_916 : vector<200x1xf32>
    %mul3A_918 = arith.mulf %mul3A_910, %add3A_795 : vector<200x1xf32>
    %mul3A_919 = arith.mulf %div3A_909, %add3A_859 : vector<200x1xf32>
    %add3A_920 = arith.addf %mul3A_918, %mul3A_919 : vector<200x1xf32>
    %mul3A_921 = arith.mulf %div3A_909, %add3A_801 : vector<200x1xf32>
    %mul3A_922 = arith.mulf %mul3A_910, %add3A_865 : vector<200x1xf32>
    %sub3A_923 = arith.subf %mul3A_921, %mul3A_922 : vector<200x1xf32>
    %mul3A_924 = arith.mulf %mul3A_910, %add3A_801 : vector<200x1xf32>
    %mul3A_925 = arith.mulf %div3A_909, %add3A_865 : vector<200x1xf32>
    %add3A_926 = arith.addf %mul3A_924, %mul3A_925 : vector<200x1xf32>
    %mul3A_927 = arith.mulf %div3A_909, %add3A_807 : vector<200x1xf32>
    %mul3A_928 = arith.mulf %mul3A_910, %add3A_871 : vector<200x1xf32>
    %sub3A_929 = arith.subf %mul3A_927, %mul3A_928 : vector<200x1xf32>
    %mul3A_930 = arith.mulf %mul3A_910, %add3A_807 : vector<200x1xf32>
    %mul3A_931 = arith.mulf %div3A_909, %add3A_871 : vector<200x1xf32>
    %add3A_932 = arith.addf %mul3A_930, %mul3A_931 : vector<200x1xf32>
    %le3A_933 = arith.cmpf ole, %sub3A_848, %sub3A_912 : vector<200x1xf32>
    %le3A_934 = arith.cmpf ole, %sub3A_848, %add3A_914 : vector<200x1xf32>
    %and3A = arith.andi %le3A_933, %le3A_934 : vector<200x1xi1>
    %not3A = arith.constant dense<true> : vector<200x1xi1>
    %not3A_935 = arith.xori %and3A, %not3A : vector<200x1xi1>
    %le3A_936 = arith.cmpf ole, %sub3A_912, %add3A_914 : vector<200x1xf32>
    %and3A_937 = arith.andi %not3A_935, %le3A_936 : vector<200x1xi1>
    %select_n3A_938 = arith.select %and3A_937, %sub3A_917, %add3A_920 : vector<200x1xi1>, vector<200x1xf32>
    %select_n3A_939 = arith.select %and3A, %sub3A_856, %select_n3A_938 : vector<200x1xi1>, vector<200x1xf32>
    %select_n3A_940 = arith.select %and3A_937, %sub3A_923, %add3A_926 : vector<200x1xi1>, vector<200x1xf32>
    %select_n3A_941 = arith.select %and3A, %sub3A_862, %select_n3A_940 : vector<200x1xi1>, vector<200x1xf32>
    %select_n3A_942 = arith.select %and3A_937, %sub3A_929, %add3A_932 : vector<200x1xi1>, vector<200x1xf32>
    %select_n3A_943 = arith.select %and3A, %sub3A_868, %select_n3A_942 : vector<200x1xi1>, vector<200x1xf32>
    %select_n3A_944 = arith.select %and3A_937, %sub3A_912, %add3A_914 : vector<200x1xi1>, vector<200x1xf32>
    %select_n3A_945 = arith.select %and3A, %sub3A_848, %select_n3A_944 : vector<200x1xi1>, vector<200x1xf32>
    %max3A = arith.maximumf %sub3A_912, %add3A_914 : vector<200x1xf32>
    %max3A_946 = arith.maximumf %sub3A_848, %max3A : vector<200x1xf32>
    %add3A_947 = arith.addf %sub3A_848, %sub3A_912 : vector<200x1xf32>
    %add3A_948 = arith.addf %add3A_947, %add3A_914 : vector<200x1xf32>
    %sub3A_949 = arith.subf %add3A_948, %select_n3A_945 : vector<200x1xf32>
    %sub3A_950 = arith.subf %sub3A_949, %max3A_946 : vector<200x1xf32>
    %sub3A_951 = arith.subf %sub3A_950, %select_n3A_945 : vector<200x1xf32>
    %abs3A_952 = math.absf %max3A_946 : vector<200x1xf32>
    %max3A_953 = arith.constant 1.000000e-30 : f32
    %max3A_954 = vector.broadcast %max3A_953 : f32 to vector<200x1xf32>
    %max3A_955 = arith.maximumf %abs3A_952, %max3A_954 : vector<200x1xf32>
    %div3A_956 = arith.divf %sub3A_951, %max3A_955 : vector<200x1xf32>
    %gt3A = arith.constant 1.500000e+00 : f32
    %gt3A_957 = vector.broadcast %gt3A : f32 to vector<200x1xf32>
    %gt3A_958 = arith.cmpf ogt, %broadcast_in_dim3A_50, %gt3A_957 : vector<200x1xf32>
    %lt3A = arith.constant 2.500000e+00 : f32
    %lt3A_959 = vector.broadcast %lt3A : f32 to vector<200x1xf32>
    %lt3A_960 = arith.cmpf olt, %broadcast_in_dim3A_50, %lt3A_959 : vector<200x1xf32>
    %and3A_961 = arith.andi %gt3A_958, %lt3A_960 : vector<200x1xi1>
    %gt3A_962 = arith.constant 2.500000e+00 : f32
    %gt3A_963 = vector.broadcast %gt3A_962 : f32 to vector<200x1xf32>
    %gt3A_964 = arith.cmpf ogt, %broadcast_in_dim3A_50, %gt3A_963 : vector<200x1xf32>
    %lt3A_965 = arith.constant 0.00999999977 : f32
    %lt3A_966 = vector.broadcast %lt3A_965 : f32 to vector<200x1xf32>
    %lt3A_967 = arith.cmpf olt, %div3A_956, %lt3A_966 : vector<200x1xf32>
    %and3A_968 = arith.andi %gt3A_964, %lt3A_967 : vector<200x1xi1>
    %or3A = arith.ori %and3A_961, %and3A_968 : vector<200x1xi1>
    %convert_element_type3A_969 = arith.extui %or3A : vector<200x1xi1> to vector<200x1xi32>
    %convert_element_type3A_970 = arith.sitofp %convert_element_type3A_969 : vector<200x1xi32> to vector<200x1xf32>
    %concatenate3A = tpu.concatenate %div3A_97, %div3A_105, %div3A_113, %div3A_121, %div3A_129, %div3A_137, %select_n3A_939, %select_n3A_941, %select_n3A_943, %convert_element_type3A_970 in 1 : vector<200x1xf32>, vector<200x1xf32>, vector<200x1xf32>, vector<200x1xf32>, vector<200x1xf32>, vector<200x1xf32>, vector<200x1xf32>, vector<200x1xf32>, vector<200x1xf32>, vector<200x1xf32> -> vector<200x10xf32>
    %swap3A = arith.constant 0 : index
    %swap3A_971 = arith.constant 0 : index
    %swap3A_972 = arith.constant 0 : index
    %swap3A_973 = vector.load %arg4[%swap3A, %swap3A_971, %swap3A_972] : memref<1x200x10xf32, #tpu.memory_space<vmem>>, vector<1x200x10xf32>
    %swap3A_974 = vector.shape_cast %swap3A_973 : vector<1x200x10xf32> to vector<200x10xf32>
    %swap3A_975 = vector.shape_cast %concatenate3A : vector<200x10xf32> to vector<1x200x10xf32>
    tpu.vector_store %arg4[%swap3A, %swap3A_971, %swap3A_972], %swap3A_975 {strides = array<i32>} : memref<1x200x10xf32, #tpu.memory_space<vmem>>, vector<1x200x10xf32>,
    return
  }
  func.func @transform_0(%arg0: i32, %arg1: i32) -> (i32, i32, i32) {
    %c0_i32 = arith.constant 0 : i32
    %c0_i32_0 = arith.constant 0 : i32
    %c0_i32_1 = arith.constant 0 : i32
    return %arg0, %c0_i32, %c0_i32_0 : i32, i32, i32
  }
  func.func @transform_1(%arg0: i32, %arg1: i32) -> (i32, i32, i32) {
    %c0_i32 = arith.constant 0 : i32
    %c0_i32_0 = arith.constant 0 : i32
    return %arg0, %arg1, %c0_i32 : i32, i32, i32
  }
  func.func @transform_2(%arg0: i32, %arg1: i32) -> (i32, i32, i32) {
    %c0_i32 = arith.constant 0 : i32
    %c0_i32_0 = arith.constant 0 : i32
    return %arg0, %arg1, %c0_i32 : i32, i32, i32
  }
}

module attributes {stable_mosaic.version = 14 : i64} {
  func.func @_mlp_kernel(%arg0: memref<256x4096xf32, #tpu.memory_space<vmem>>, %arg1: memref<256x256xf32, #tpu.memory_space<vmem>>, %arg2: memref<256x1xf32, #tpu.memory_space<vmem>>, %arg3: memref<256x1xf32, #tpu.memory_space<vmem>>, %arg4: memref<256x1xf32, #tpu.memory_space<vmem>>, %arg5: memref<256x256xf32, #tpu.memory_space<vmem>>, %arg6: memref<256x1xf32, #tpu.memory_space<vmem>>, %arg7: memref<256x1xf32, #tpu.memory_space<vmem>>, %arg8: memref<256x1xf32, #tpu.memory_space<vmem>>, %arg9: memref<2x256xf32, #tpu.memory_space<vmem>>, %arg10: memref<2x1xf32, #tpu.memory_space<vmem>>, %arg11: memref<3x256xf32, #tpu.memory_space<vmem>>, %arg12: memref<3x1xf32, #tpu.memory_space<vmem>>, %arg13: memref<2x256xf32, #tpu.memory_space<vmem>>, %arg14: memref<2x1xf32, #tpu.memory_space<vmem>>, %arg15: memref<3x4096xf32, #tpu.memory_space<vmem>>, %arg16: memref<3x4096xf32, #tpu.memory_space<vmem>>, %arg17: memref<2x4096xf32, #tpu.memory_space<vmem>>, %arg18: memref<2x4096xf32, #tpu.memory_space<vmem>>) attributes {dimension_semantics = [], scalar_prefetch = 0 : i64, scratch_operands = 0 : i64, tpu.core_type = #tpu.core_type<tc>} {
    %get3A = arith.constant 0 : index
    %get3A_0 = arith.constant 0 : index
    %get3A_1 = vector.load %arg0[%get3A, %get3A_0] : memref<256x4096xf32, #tpu.memory_space<vmem>>, vector<256x4096xf32>
    %get3A_2 = arith.constant 0 : index
    %get3A_3 = arith.constant 0 : index
    %get3A_4 = vector.load %arg1[%get3A_2, %get3A_3] : memref<256x256xf32, #tpu.memory_space<vmem>>, vector<256x256xf32>
    %dot_general3A = arith.constant dense<0.000000e+00> : vector<256x4096xf32>
    %dot_general3A_5 = tpu.matmul %get3A_4, %get3A_1, %dot_general3A {dimension_numbers = #tpu.dot_dimension_numbers<[1], [0], [0], [1], [0, 0, 1, 1], [], []>, transpose_lhs_hint = false} : vector<256x256xf32>, vector<256x4096xf32>, vector<256x4096xf32> -> vector<256x4096xf32>
    %get3A_6 = arith.constant 0 : index
    %get3A_7 = arith.constant 0 : index
    %get3A_8 = vector.load %arg2[%get3A_6, %get3A_7] : memref<256x1xf32, #tpu.memory_space<vmem>>, vector<256x1xf32>
    %add3A = vector.broadcast %get3A_8 : vector<256x1xf32> to vector<256x4096xf32>
    %add3A_9 = arith.addf %dot_general3A_5, %add3A : vector<256x4096xf32>
    %reduce_sum3A = arith.constant dense<0.000000e+00> : vector<256xf32>
    %reduce_sum3A_10 = vector.multi_reduction <add>, %add3A_9, %reduce_sum3A [1] : vector<256x4096xf32> to vector<256xf32>
    %broadcast_in_dim3A = vector.shape_cast %reduce_sum3A_10 : vector<256xf32> to vector<256x1xf32>
    %div3A = arith.constant 4.096000e+03 : f32
    %div3A_11 = vector.broadcast %div3A : f32 to vector<256x1xf32>
    %div3A_12 = arith.divf %broadcast_in_dim3A, %div3A_11 : vector<256x1xf32>
    %sub3A = vector.broadcast %div3A_12 : vector<256x1xf32> to vector<256x4096xf32>
    %sub3A_13 = arith.subf %add3A_9, %sub3A : vector<256x4096xf32>
    %integer_pow3A = arith.mulf %sub3A_13, %sub3A_13 : vector<256x4096xf32>
    %reduce_sum3A_14 = arith.constant dense<0.000000e+00> : vector<256xf32>
    %reduce_sum3A_15 = vector.multi_reduction <add>, %integer_pow3A, %reduce_sum3A_14 [1] : vector<256x4096xf32> to vector<256xf32>
    %broadcast_in_dim3A_16 = vector.shape_cast %reduce_sum3A_15 : vector<256xf32> to vector<256x1xf32>
    %div3A_17 = arith.constant 4.096000e+03 : f32
    %div3A_18 = vector.broadcast %div3A_17 : f32 to vector<256x1xf32>
    %div3A_19 = arith.divf %broadcast_in_dim3A_16, %div3A_18 : vector<256x1xf32>
    %sub3A_20 = vector.broadcast %div3A_12 : vector<256x1xf32> to vector<256x4096xf32>
    %sub3A_21 = arith.subf %add3A_9, %sub3A_20 : vector<256x4096xf32>
    %add3A_22 = arith.constant 9.99999974E-6 : f32
    %add3A_23 = vector.broadcast %add3A_22 : f32 to vector<256x1xf32>
    %add3A_24 = arith.addf %div3A_19, %add3A_23 : vector<256x1xf32>
    %sqrt3A = math.sqrt %add3A_24 : vector<256x1xf32>
    %div3A_25 = vector.broadcast %sqrt3A : vector<256x1xf32> to vector<256x4096xf32>
    %div3A_26 = arith.divf %sub3A_21, %div3A_25 : vector<256x4096xf32>
    %get3A_27 = arith.constant 0 : index
    %get3A_28 = arith.constant 0 : index
    %get3A_29 = vector.load %arg3[%get3A_27, %get3A_28] : memref<256x1xf32, #tpu.memory_space<vmem>>, vector<256x1xf32>
    %mul3A = vector.broadcast %get3A_29 : vector<256x1xf32> to vector<256x4096xf32>
    %mul3A_30 = arith.mulf %div3A_26, %mul3A : vector<256x4096xf32>
    %get3A_31 = arith.constant 0 : index
    %get3A_32 = arith.constant 0 : index
    %get3A_33 = vector.load %arg4[%get3A_31, %get3A_32] : memref<256x1xf32, #tpu.memory_space<vmem>>, vector<256x1xf32>
    %add3A_34 = vector.broadcast %get3A_33 : vector<256x1xf32> to vector<256x4096xf32>
    %add3A_35 = arith.addf %mul3A_30, %add3A_34 : vector<256x4096xf32>
    %max3A = arith.constant 0.000000e+00 : f32
    %max3A_36 = vector.broadcast %max3A : f32 to vector<256x4096xf32>
    %max3A_37 = arith.maximumf %add3A_35, %max3A_36 : vector<256x4096xf32>
    %get3A_38 = arith.constant 0 : index
    %get3A_39 = arith.constant 0 : index
    %get3A_40 = vector.load %arg5[%get3A_38, %get3A_39] : memref<256x256xf32, #tpu.memory_space<vmem>>, vector<256x256xf32>
    %dot_general3A_41 = arith.constant dense<0.000000e+00> : vector<256x4096xf32>
    %dot_general3A_42 = tpu.matmul %get3A_40, %max3A_37, %dot_general3A_41 {dimension_numbers = #tpu.dot_dimension_numbers<[1], [0], [0], [1], [0, 0, 1, 1], [], []>, transpose_lhs_hint = false} : vector<256x256xf32>, vector<256x4096xf32>, vector<256x4096xf32> -> vector<256x4096xf32>
    %get3A_43 = arith.constant 0 : index
    %get3A_44 = arith.constant 0 : index
    %get3A_45 = vector.load %arg6[%get3A_43, %get3A_44] : memref<256x1xf32, #tpu.memory_space<vmem>>, vector<256x1xf32>
    %add3A_46 = vector.broadcast %get3A_45 : vector<256x1xf32> to vector<256x4096xf32>
    %add3A_47 = arith.addf %dot_general3A_42, %add3A_46 : vector<256x4096xf32>
    %reduce_sum3A_48 = arith.constant dense<0.000000e+00> : vector<256xf32>
    %reduce_sum3A_49 = vector.multi_reduction <add>, %add3A_47, %reduce_sum3A_48 [1] : vector<256x4096xf32> to vector<256xf32>
    %broadcast_in_dim3A_50 = vector.shape_cast %reduce_sum3A_49 : vector<256xf32> to vector<256x1xf32>
    %div3A_51 = arith.constant 4.096000e+03 : f32
    %div3A_52 = vector.broadcast %div3A_51 : f32 to vector<256x1xf32>
    %div3A_53 = arith.divf %broadcast_in_dim3A_50, %div3A_52 : vector<256x1xf32>
    %sub3A_54 = vector.broadcast %div3A_53 : vector<256x1xf32> to vector<256x4096xf32>
    %sub3A_55 = arith.subf %add3A_47, %sub3A_54 : vector<256x4096xf32>
    %integer_pow3A_56 = arith.mulf %sub3A_55, %sub3A_55 : vector<256x4096xf32>
    %reduce_sum3A_57 = arith.constant dense<0.000000e+00> : vector<256xf32>
    %reduce_sum3A_58 = vector.multi_reduction <add>, %integer_pow3A_56, %reduce_sum3A_57 [1] : vector<256x4096xf32> to vector<256xf32>
    %broadcast_in_dim3A_59 = vector.shape_cast %reduce_sum3A_58 : vector<256xf32> to vector<256x1xf32>
    %div3A_60 = arith.constant 4.096000e+03 : f32
    %div3A_61 = vector.broadcast %div3A_60 : f32 to vector<256x1xf32>
    %div3A_62 = arith.divf %broadcast_in_dim3A_59, %div3A_61 : vector<256x1xf32>
    %sub3A_63 = vector.broadcast %div3A_53 : vector<256x1xf32> to vector<256x4096xf32>
    %sub3A_64 = arith.subf %add3A_47, %sub3A_63 : vector<256x4096xf32>
    %add3A_65 = arith.constant 9.99999974E-6 : f32
    %add3A_66 = vector.broadcast %add3A_65 : f32 to vector<256x1xf32>
    %add3A_67 = arith.addf %div3A_62, %add3A_66 : vector<256x1xf32>
    %sqrt3A_68 = math.sqrt %add3A_67 : vector<256x1xf32>
    %div3A_69 = vector.broadcast %sqrt3A_68 : vector<256x1xf32> to vector<256x4096xf32>
    %div3A_70 = arith.divf %sub3A_64, %div3A_69 : vector<256x4096xf32>
    %get3A_71 = arith.constant 0 : index
    %get3A_72 = arith.constant 0 : index
    %get3A_73 = vector.load %arg7[%get3A_71, %get3A_72] : memref<256x1xf32, #tpu.memory_space<vmem>>, vector<256x1xf32>
    %mul3A_74 = vector.broadcast %get3A_73 : vector<256x1xf32> to vector<256x4096xf32>
    %mul3A_75 = arith.mulf %div3A_70, %mul3A_74 : vector<256x4096xf32>
    %get3A_76 = arith.constant 0 : index
    %get3A_77 = arith.constant 0 : index
    %get3A_78 = vector.load %arg8[%get3A_76, %get3A_77] : memref<256x1xf32, #tpu.memory_space<vmem>>, vector<256x1xf32>
    %add3A_79 = vector.broadcast %get3A_78 : vector<256x1xf32> to vector<256x4096xf32>
    %add3A_80 = arith.addf %mul3A_75, %add3A_79 : vector<256x4096xf32>
    %max3A_81 = arith.constant 0.000000e+00 : f32
    %max3A_82 = vector.broadcast %max3A_81 : f32 to vector<256x4096xf32>
    %max3A_83 = arith.maximumf %add3A_80, %max3A_82 : vector<256x4096xf32>
    %get3A_84 = arith.constant 0 : index
    %get3A_85 = arith.constant 0 : index
    %get3A_86 = vector.load %arg9[%get3A_84, %get3A_85] : memref<2x256xf32, #tpu.memory_space<vmem>>, vector<2x256xf32>
    %dot_general3A_87 = arith.constant dense<0.000000e+00> : vector<2x4096xf32>
    %dot_general3A_88 = tpu.matmul %get3A_86, %max3A_83, %dot_general3A_87 {dimension_numbers = #tpu.dot_dimension_numbers<[1], [0], [0], [1], [0, 0, 1, 1], [], []>, transpose_lhs_hint = false} : vector<2x256xf32>, vector<256x4096xf32>, vector<2x4096xf32> -> vector<2x4096xf32>
    %get3A_89 = arith.constant 0 : index
    %get3A_90 = arith.constant 0 : index
    %get3A_91 = vector.load %arg10[%get3A_89, %get3A_90] : memref<2x1xf32, #tpu.memory_space<vmem>>, vector<2x1xf32>
    %add3A_92 = vector.broadcast %get3A_91 : vector<2x1xf32> to vector<2x4096xf32>
    %add3A_93 = arith.addf %dot_general3A_88, %add3A_92 : vector<2x4096xf32>
    %swap3A = arith.constant 0 : index
    %swap3A_94 = arith.constant 0 : index
    %swap3A_95 = vector.load %arg18[%swap3A, %swap3A_94] : memref<2x4096xf32, #tpu.memory_space<vmem>>, vector<2x4096xf32>
    tpu.vector_store %arg18[%swap3A, %swap3A_94], %add3A_93 {strides = array<i32>} : memref<2x4096xf32, #tpu.memory_space<vmem>>, vector<2x4096xf32>,
    %get3A_96 = arith.constant 0 : index
    %get3A_97 = arith.constant 0 : index
    %get3A_98 = vector.load %arg11[%get3A_96, %get3A_97] : memref<3x256xf32, #tpu.memory_space<vmem>>, vector<3x256xf32>
    %dot_general3A_99 = arith.constant dense<0.000000e+00> : vector<3x4096xf32>
    %dot_general3A_100 = tpu.matmul %get3A_98, %max3A_83, %dot_general3A_99 {dimension_numbers = #tpu.dot_dimension_numbers<[1], [0], [0], [1], [0, 0, 1, 1], [], []>, transpose_lhs_hint = false} : vector<3x256xf32>, vector<256x4096xf32>, vector<3x4096xf32> -> vector<3x4096xf32>
    %get3A_101 = arith.constant 0 : index
    %get3A_102 = arith.constant 0 : index
    %get3A_103 = vector.load %arg12[%get3A_101, %get3A_102] : memref<3x1xf32, #tpu.memory_space<vmem>>, vector<3x1xf32>
    %add3A_104 = vector.broadcast %get3A_103 : vector<3x1xf32> to vector<3x4096xf32>
    %add3A_105 = arith.addf %dot_general3A_100, %add3A_104 : vector<3x4096xf32>
    %get3A_106 = arith.constant 0 : index
    %get3A_107 = arith.constant 0 : index
    %get3A_108 = vector.load %arg15[%get3A_106, %get3A_107] : memref<3x4096xf32, #tpu.memory_space<vmem>>, vector<3x4096xf32>
    %add3A_109 = arith.addf %add3A_105, %get3A_108 : vector<3x4096xf32>
    %swap3A_110 = arith.constant 0 : index
    %swap3A_111 = arith.constant 0 : index
    %swap3A_112 = vector.load %arg16[%swap3A_110, %swap3A_111] : memref<3x4096xf32, #tpu.memory_space<vmem>>, vector<3x4096xf32>
    tpu.vector_store %arg16[%swap3A_110, %swap3A_111], %add3A_109 {strides = array<i32>} : memref<3x4096xf32, #tpu.memory_space<vmem>>, vector<3x4096xf32>,
    %get3A_113 = arith.constant 0 : index
    %get3A_114 = arith.constant 0 : index
    %get3A_115 = vector.load %arg13[%get3A_113, %get3A_114] : memref<2x256xf32, #tpu.memory_space<vmem>>, vector<2x256xf32>
    %dot_general3A_116 = arith.constant dense<0.000000e+00> : vector<2x4096xf32>
    %dot_general3A_117 = tpu.matmul %get3A_115, %max3A_83, %dot_general3A_116 {dimension_numbers = #tpu.dot_dimension_numbers<[1], [0], [0], [1], [0, 0, 1, 1], [], []>, transpose_lhs_hint = false} : vector<2x256xf32>, vector<256x4096xf32>, vector<2x4096xf32> -> vector<2x4096xf32>
    %get3A_118 = arith.constant 0 : index
    %get3A_119 = arith.constant 0 : index
    %get3A_120 = vector.load %arg14[%get3A_118, %get3A_119] : memref<2x1xf32, #tpu.memory_space<vmem>>, vector<2x1xf32>
    %add3A_121 = vector.broadcast %get3A_120 : vector<2x1xf32> to vector<2x4096xf32>
    %add3A_122 = arith.addf %dot_general3A_117, %add3A_121 : vector<2x4096xf32>
    %swap3A_123 = arith.constant 0 : index
    %swap3A_124 = arith.constant 0 : index
    %swap3A_125 = vector.load %arg17[%swap3A_123, %swap3A_124] : memref<2x4096xf32, #tpu.memory_space<vmem>>, vector<2x4096xf32>
    tpu.vector_store %arg17[%swap3A_123, %swap3A_124], %add3A_122 {strides = array<i32>} : memref<2x4096xf32, #tpu.memory_space<vmem>>, vector<2x4096xf32>,
    return
  }
}

module attributes {stable_mosaic.version = 14 : i64} {
  func.func @_combine_kernel(%arg0: i32, %arg1: i32, %arg2: memref<1x3x4000xf32, #tpu.memory_space<vmem>>, %arg3: memref<1x3x4000xf32, #tpu.memory_space<vmem>>, %arg4: memref<1x256x3xf32, #tpu.memory_space<vmem>>, %arg5: memref<1x256x3xf32, #tpu.memory_space<vmem>>) attributes {dimension_semantics = [#tpu.dimension_semantics<arbitrary>, #tpu.dimension_semantics<arbitrary>], iteration_bounds = array<i64: 4, 4>, scalar_prefetch = 0 : i64, scratch_operands = 0 : i64, tpu.core_type = #tpu.core_type<tc>, window_params = [{transform_indices = @transform_0, window_bounds = array<i64: 1, 3, 4000>}, {transform_indices = @transform_1, window_bounds = array<i64: 1, 3, 4000>}, {transform_indices = @transform_2, window_bounds = array<i64: 1, 256, 3>}, {transform_indices = @transform_3, window_bounds = array<i64: 1, 256, 3>}]} {
    %get3A = arith.constant 0 : index
    %get3A_0 = arith.constant 0 : index
    %get3A_1 = arith.constant 0 : index
    %get3A_2 = vector.load %arg2[%get3A, %get3A_0, %get3A_1] : memref<1x3x4000xf32, #tpu.memory_space<vmem>>, vector<1x1x4000xf32>
    %get3A_3 = vector.shape_cast %get3A_2 : vector<1x1x4000xf32> to vector<1x4000xf32>
    %get3A_4 = arith.constant 0 : index
    %get3A_5 = arith.constant 1 : index
    %get3A_6 = arith.constant 0 : index
    %get3A_7 = vector.load %arg2[%get3A_4, %get3A_5, %get3A_6] : memref<1x3x4000xf32, #tpu.memory_space<vmem>>, vector<1x1x4000xf32>
    %get3A_8 = vector.shape_cast %get3A_7 : vector<1x1x4000xf32> to vector<1x4000xf32>
    %get3A_9 = arith.constant 0 : index
    %get3A_10 = arith.constant 2 : index
    %get3A_11 = arith.constant 0 : index
    %get3A_12 = vector.load %arg2[%get3A_9, %get3A_10, %get3A_11] : memref<1x3x4000xf32, #tpu.memory_space<vmem>>, vector<1x1x4000xf32>
    %get3A_13 = vector.shape_cast %get3A_12 : vector<1x1x4000xf32> to vector<1x4000xf32>
    %reduce_sum3A = vector.shape_cast %get3A_3 : vector<1x4000xf32> to vector<1x1x4000xf32>
    %reduce_sum3A_14 = arith.constant dense<0.000000e+00> : vector<1xf32>
    %reduce_sum3A_15 = vector.multi_reduction <add>, %reduce_sum3A, %reduce_sum3A_14 [1, 2] : vector<1x1x4000xf32> to vector<1xf32>
    %reduce_sum3A_16 = vector.shape_cast %reduce_sum3A_15 : vector<1xf32> to vector<1x1x1xf32>
    %reduce_sum3A_17 = vector.extract %reduce_sum3A_16[0, 0, 0] : f32 from vector<1x1x1xf32>
    %div3A = arith.constant 4.000000e+03 : f32
    %div3A_18 = arith.divf %reduce_sum3A_17, %div3A : f32
    %reduce_sum3A_19 = vector.shape_cast %get3A_8 : vector<1x4000xf32> to vector<1x1x4000xf32>
    %reduce_sum3A_20 = arith.constant dense<0.000000e+00> : vector<1xf32>
    %reduce_sum3A_21 = vector.multi_reduction <add>, %reduce_sum3A_19, %reduce_sum3A_20 [1, 2] : vector<1x1x4000xf32> to vector<1xf32>
    %reduce_sum3A_22 = vector.shape_cast %reduce_sum3A_21 : vector<1xf32> to vector<1x1x1xf32>
    %reduce_sum3A_23 = vector.extract %reduce_sum3A_22[0, 0, 0] : f32 from vector<1x1x1xf32>
    %div3A_24 = arith.constant 4.000000e+03 : f32
    %div3A_25 = arith.divf %reduce_sum3A_23, %div3A_24 : f32
    %reduce_sum3A_26 = vector.shape_cast %get3A_13 : vector<1x4000xf32> to vector<1x1x4000xf32>
    %reduce_sum3A_27 = arith.constant dense<0.000000e+00> : vector<1xf32>
    %reduce_sum3A_28 = vector.multi_reduction <add>, %reduce_sum3A_26, %reduce_sum3A_27 [1, 2] : vector<1x1x4000xf32> to vector<1xf32>
    %reduce_sum3A_29 = vector.shape_cast %reduce_sum3A_28 : vector<1xf32> to vector<1x1x1xf32>
    %reduce_sum3A_30 = vector.extract %reduce_sum3A_29[0, 0, 0] : f32 from vector<1x1x1xf32>
    %div3A_31 = arith.constant 4.000000e+03 : f32
    %div3A_32 = arith.divf %reduce_sum3A_30, %div3A_31 : f32
    %get3A_33 = arith.constant 0 : index
    %get3A_34 = arith.constant 0 : index
    %get3A_35 = arith.constant 0 : index
    %get3A_36 = vector.load %arg3[%get3A_33, %get3A_34, %get3A_35] : memref<1x3x4000xf32, #tpu.memory_space<vmem>>, vector<1x1x4000xf32>
    %get3A_37 = vector.shape_cast %get3A_36 : vector<1x1x4000xf32> to vector<1x4000xf32>
    %get3A_38 = arith.constant 0 : index
    %get3A_39 = arith.constant 1 : index
    %get3A_40 = arith.constant 0 : index
    %get3A_41 = vector.load %arg3[%get3A_38, %get3A_39, %get3A_40] : memref<1x3x4000xf32, #tpu.memory_space<vmem>>, vector<1x1x4000xf32>
    %get3A_42 = vector.shape_cast %get3A_41 : vector<1x1x4000xf32> to vector<1x4000xf32>
    %get3A_43 = arith.constant 0 : index
    %get3A_44 = arith.constant 2 : index
    %get3A_45 = arith.constant 0 : index
    %get3A_46 = vector.load %arg3[%get3A_43, %get3A_44, %get3A_45] : memref<1x3x4000xf32, #tpu.memory_space<vmem>>, vector<1x1x4000xf32>
    %get3A_47 = vector.shape_cast %get3A_46 : vector<1x1x4000xf32> to vector<1x4000xf32>
    %sub3A = vector.broadcast %div3A_18 : f32 to vector<1x4000xf32>
    %sub3A_48 = arith.subf %get3A_3, %sub3A : vector<1x4000xf32>
    %mul3A = arith.mulf %sub3A_48, %get3A_37 : vector<1x4000xf32>
    %sub3A_49 = vector.broadcast %div3A_25 : f32 to vector<1x4000xf32>
    %sub3A_50 = arith.subf %get3A_8, %sub3A_49 : vector<1x4000xf32>
    %mul3A_51 = arith.mulf %sub3A_50, %get3A_42 : vector<1x4000xf32>
    %add3A = arith.addf %mul3A, %mul3A_51 : vector<1x4000xf32>
    %sub3A_52 = vector.broadcast %div3A_32 : f32 to vector<1x4000xf32>
    %sub3A_53 = arith.subf %get3A_13, %sub3A_52 : vector<1x4000xf32>
    %mul3A_54 = arith.mulf %sub3A_53, %get3A_47 : vector<1x4000xf32>
    %add3A_55 = arith.addf %add3A, %mul3A_54 : vector<1x4000xf32>
    %lt3A = arith.constant 0.000000e+00 : f32
    %lt3A_56 = vector.broadcast %lt3A : f32 to vector<1x4000xf32>
    %lt3A_57 = arith.cmpf olt, %add3A_55, %lt3A_56 : vector<1x4000xf32>
    %neg3A = arith.constant 0.000000e+00 : f32
    %neg3A_58 = vector.broadcast %neg3A : f32 to vector<1x4000xf32>
    %neg3A_59 = arith.subf %neg3A_58, %get3A_37 : vector<1x4000xf32>
    %select_n3A = arith.select %lt3A_57, %get3A_37, %neg3A_59 : vector<1x4000xi1>, vector<1x4000xf32>
    %neg3A_60 = arith.constant 0.000000e+00 : f32
    %neg3A_61 = vector.broadcast %neg3A_60 : f32 to vector<1x4000xf32>
    %neg3A_62 = arith.subf %neg3A_61, %get3A_42 : vector<1x4000xf32>
    %select_n3A_63 = arith.select %lt3A_57, %get3A_42, %neg3A_62 : vector<1x4000xi1>, vector<1x4000xf32>
    %neg3A_64 = arith.constant 0.000000e+00 : f32
    %neg3A_65 = vector.broadcast %neg3A_64 : f32 to vector<1x4000xf32>
    %neg3A_66 = arith.subf %neg3A_65, %get3A_47 : vector<1x4000xf32>
    %select_n3A_67 = arith.select %lt3A_57, %get3A_47, %neg3A_66 : vector<1x4000xi1>, vector<1x4000xf32>
    %get3A_68 = arith.constant 0 : index
    %get3A_69 = arith.constant 0 : index
    %get3A_70 = arith.constant 0 : index
    %get3A_71 = vector.load %arg4[%get3A_68, %get3A_69, %get3A_70] : memref<1x256x3xf32, #tpu.memory_space<vmem>>, vector<1x256x1xf32>
    %get3A_72 = vector.shape_cast %get3A_71 : vector<1x256x1xf32> to vector<256x1xf32>
    %get3A_73 = arith.constant 0 : index
    %get3A_74 = arith.constant 0 : index
    %get3A_75 = arith.constant 1 : index
    %get3A_76 = vector.load %arg4[%get3A_73, %get3A_74, %get3A_75] : memref<1x256x3xf32, #tpu.memory_space<vmem>>, vector<1x256x1xf32>
    %get3A_77 = vector.shape_cast %get3A_76 : vector<1x256x1xf32> to vector<256x1xf32>
    %get3A_78 = arith.constant 0 : index
    %get3A_79 = arith.constant 0 : index
    %get3A_80 = arith.constant 2 : index
    %get3A_81 = vector.load %arg4[%get3A_78, %get3A_79, %get3A_80] : memref<1x256x3xf32, #tpu.memory_space<vmem>>, vector<1x256x1xf32>
    %get3A_82 = vector.shape_cast %get3A_81 : vector<1x256x1xf32> to vector<256x1xf32>
    %sub3A_83 = vector.broadcast %get3A_72 : vector<256x1xf32> to vector<256x4000xf32>
    %sub3A_84 = vector.broadcast %get3A_3 : vector<1x4000xf32> to vector<256x4000xf32>
    %sub3A_85 = arith.subf %sub3A_83, %sub3A_84 : vector<256x4000xf32>
    %sub3A_86 = vector.broadcast %get3A_77 : vector<256x1xf32> to vector<256x4000xf32>
    %sub3A_87 = vector.broadcast %get3A_8 : vector<1x4000xf32> to vector<256x4000xf32>
    %sub3A_88 = arith.subf %sub3A_86, %sub3A_87 : vector<256x4000xf32>
    %sub3A_89 = vector.broadcast %get3A_82 : vector<256x1xf32> to vector<256x4000xf32>
    %sub3A_90 = vector.broadcast %get3A_13 : vector<1x4000xf32> to vector<256x4000xf32>
    %sub3A_91 = arith.subf %sub3A_89, %sub3A_90 : vector<256x4000xf32>
    %mul3A_92 = arith.mulf %sub3A_85, %sub3A_85 : vector<256x4000xf32>
    %mul3A_93 = arith.mulf %sub3A_88, %sub3A_88 : vector<256x4000xf32>
    %add3A_94 = arith.addf %mul3A_92, %mul3A_93 : vector<256x4000xf32>
    %mul3A_95 = arith.mulf %sub3A_91, %sub3A_91 : vector<256x4000xf32>
    %add3A_96 = arith.addf %add3A_94, %mul3A_95 : vector<256x4000xf32>
    %bitcast_convert_type3A = tpu.bitcast %add3A_96 : vector<256x4000xf32> -> vector<256x4000xi32>
    %broadcast_in_dim3A = arith.constant 2139095039 : i32
    %broadcast_in_dim3A_97 = vector.broadcast %broadcast_in_dim3A : i32 to vector<256x1xi32>
    %broadcast_in_dim3A_98 = arith.constant -1 : i32
    %broadcast_in_dim3A_99 = vector.broadcast %broadcast_in_dim3A_98 : i32 to vector<256x1xi32>
    %scan3A = arith.constant 0 : i32
    %scan3A_100 = arith.constant 31 : i32
    %scan3A_101 = arith.addi %scan3A, %scan3A_100 : i32
    %scan3A_102 = arith.constant 1 : i32
    %scan3A_103:2 = scf.for %scan3A_127 = %scan3A to %scan3A_101 step %scan3A_102 iter_args(%scan3A_128 = %broadcast_in_dim3A_99, %scan3A_129 = %broadcast_in_dim3A_97) -> (vector<256x1xi32>, vector<256x1xi32>)  : i32 {
      %sub3A_130 = arith.subi %scan3A_129, %scan3A_128 : vector<256x1xi32>
      %jit3A_131 = arith.constant 2 : i32
      %div3A_132 = vector.broadcast %jit3A_131 : i32 to vector<256x1xi32>
      %div3A_133 = arith.divsi %sub3A_130, %div3A_132 : vector<256x1xi32>
      %sign3A = arith.constant 0 : i32
      %sign3A_134 = vector.broadcast %sign3A : i32 to vector<256x1xi32>
      %sign3A_135 = arith.cmpi sgt, %sub3A_130, %sign3A_134 : vector<256x1xi32>
      %sign3A_136 = arith.extui %sign3A_135 : vector<256x1xi1> to vector<256x1xi32>
      %sign3A_137 = arith.constant 0 : i32
      %sign3A_138 = vector.broadcast %sign3A_137 : i32 to vector<256x1xi32>
      %sign3A_139 = arith.cmpi slt, %sub3A_130, %sign3A_138 : vector<256x1xi32>
      %sign3A_140 = arith.extui %sign3A_139 : vector<256x1xi1> to vector<256x1xi32>
      %sign3A_141 = arith.subi %sign3A_136, %sign3A_140 : vector<256x1xi32>
      %sign3A_142 = arith.constant 0 : i32
      %sign3A_143 = arith.cmpi sgt, %jit3A_131, %sign3A_142 : i32
      %sign3A_144 = arith.extui %sign3A_143 : i1 to i32
      %sign3A_145 = arith.constant 0 : i32
      %sign3A_146 = arith.cmpi slt, %jit3A_131, %sign3A_145 : i32
      %sign3A_147 = arith.extui %sign3A_146 : i1 to i32
      %sign3A_148 = arith.subi %sign3A_144, %sign3A_147 : i32
      %ne3A_149 = vector.broadcast %sign3A_148 : i32 to vector<256x1xi32>
      %ne3A_150 = arith.cmpi ne, %sign3A_141, %ne3A_149 : vector<256x1xi32>
      %rem3A = vector.broadcast %jit3A_131 : i32 to vector<256x1xi32>
      %rem3A_151 = arith.remsi %sub3A_130, %rem3A : vector<256x1xi32>
      %ne3A_152 = arith.constant 0 : i32
      %ne3A_153 = vector.broadcast %ne3A_152 : i32 to vector<256x1xi32>
      %ne3A_154 = arith.cmpi ne, %rem3A_151, %ne3A_153 : vector<256x1xi32>
      %and3A = arith.andi %ne3A_150, %ne3A_154 : vector<256x1xi1>
      %sub3A_155 = arith.constant 1 : i32
      %sub3A_156 = vector.broadcast %sub3A_155 : i32 to vector<256x1xi32>
      %sub3A_157 = arith.subi %div3A_133, %sub3A_156 : vector<256x1xi32>
      %select_n3A_158 = arith.select %and3A, %sub3A_157, %div3A_133 : vector<256x1xi1>, vector<256x1xi32>
      %add3A_159 = arith.addi %scan3A_128, %select_n3A_158 : vector<256x1xi32>
      %le3A_160 = vector.broadcast %add3A_159 : vector<256x1xi32> to vector<256x4000xi32>
      %le3A_161 = arith.cmpi sle, %bitcast_convert_type3A, %le3A_160 : vector<256x4000xi32>
      %convert_element_type3A_162 = arith.extui %le3A_161 : vector<256x4000xi1> to vector<256x4000xi32>
      %convert_element_type3A_163 = arith.sitofp %convert_element_type3A_162 : vector<256x4000xi32> to vector<256x4000xf32>
      %reduce_sum3A_164 = arith.constant dense<0.000000e+00> : vector<256xf32>
      %reduce_sum3A_165 = vector.multi_reduction <add>, %convert_element_type3A_163, %reduce_sum3A_164 [1] : vector<256x4000xf32> to vector<256xf32>
      %broadcast_in_dim3A_166 = vector.shape_cast %reduce_sum3A_165 : vector<256xf32> to vector<256x1xf32>
      %ge3A = arith.constant 1.000000e+01 : f32
      %ge3A_167 = vector.broadcast %ge3A : f32 to vector<256x1xf32>
      %ge3A_168 = arith.cmpf oge, %broadcast_in_dim3A_166, %ge3A_167 : vector<256x1xf32>
      %select_n3A_169 = arith.select %ge3A_168, %scan3A_128, %add3A_159 : vector<256x1xi1>, vector<256x1xi32>
      %select_n3A_170 = arith.select %ge3A_168, %add3A_159, %scan3A_129 : vector<256x1xi1>, vector<256x1xi32>
      scf.yield %select_n3A_169, %select_n3A_170 : vector<256x1xi32>, vector<256x1xi32>
    }
    %le3A = vector.broadcast %scan3A_103#1 : vector<256x1xi32> to vector<256x4000xi32>
    %le3A_104 = arith.cmpi sle, %bitcast_convert_type3A, %le3A : vector<256x4000xi32>
    %convert_element_type3A = arith.extui %le3A_104 : vector<256x4000xi1> to vector<256x4000xi32>
    %convert_element_type3A_105 = arith.sitofp %convert_element_type3A : vector<256x4000xi32> to vector<256x4000xf32>
    %concatenate3A = tpu.concatenate %select_n3A, %select_n3A_63, %select_n3A_67 in 0 : vector<1x4000xf32>, vector<1x4000xf32>, vector<1x4000xf32> -> vector<3x4000xf32>
    %dot_general3A = arith.constant dense<0.000000e+00> : vector<256x3xf32>
    %dot_general3A_106 = tpu.matmul %convert_element_type3A_105, %concatenate3A, %dot_general3A {dimension_numbers = #tpu.dot_dimension_numbers<[1], [1], [0], [0], [0, 0, 1, 0], [], []>, transpose_lhs_hint = false} : vector<256x4000xf32>, vector<3x4000xf32>, vector<256x3xf32> -> vector<256x3xf32>
    %div3A_107 = arith.constant 1.000000e+01 : f32
    %div3A_108 = vector.broadcast %div3A_107 : f32 to vector<256x3xf32>
    %div3A_109 = arith.divf %dot_general3A_106, %div3A_108 : vector<256x3xf32>
    %slice3A = vector.extract_strided_slice %div3A_109 {offsets = [0, 0], sizes = [256, 1], strides = [1, 1]} : vector<256x3xf32> to vector<256x1xf32>
    %slice3A_110 = vector.extract_strided_slice %div3A_109 {offsets = [0, 1], sizes = [256, 1], strides = [1, 1]} : vector<256x3xf32> to vector<256x1xf32>
    %mul3A_111 = arith.mulf %slice3A, %slice3A : vector<256x1xf32>
    %mul3A_112 = arith.mulf %slice3A_110, %slice3A_110 : vector<256x1xf32>
    %add3A_113 = arith.addf %mul3A_111, %mul3A_112 : vector<256x1xf32>
    %sqrt3A = math.sqrt %add3A_113 : vector<256x1xf32>
    %div3A_114 = arith.divf %slice3A, %sqrt3A : vector<256x1xf32>
    %div3A_115 = arith.divf %slice3A_110, %sqrt3A : vector<256x1xf32>
    %broadcast_in_dim3A_116 = arith.constant 0.000000e+00 : f32
    %broadcast_in_dim3A_117 = vector.broadcast %broadcast_in_dim3A_116 : f32 to vector<256x1xf32>
    %div3A_118 = arith.divf %broadcast_in_dim3A_117, %sqrt3A : vector<256x1xf32>
    %concatenate3A_119 = tpu.concatenate %div3A_114, %div3A_115, %div3A_118 in 1 : vector<256x1xf32>, vector<256x1xf32>, vector<256x1xf32> -> vector<256x3xf32>
    %ne3A = arith.cmpf one, %concatenate3A_119, %concatenate3A_119 : vector<256x3xf32>
    %jit3A = arith.constant 9.99999997E-7 : f32
    %broadcast_in_dim3A_120 = vector.broadcast %jit3A : f32 to vector<256x3xf32>
    %select_n3A_121 = arith.select %ne3A, %broadcast_in_dim3A_120, %concatenate3A_119 : vector<256x3xi1>, vector<256x3xf32>
    %swap3A = arith.constant 0 : index
    %swap3A_122 = arith.constant 0 : index
    %swap3A_123 = arith.constant 0 : index
    %swap3A_124 = vector.load %arg5[%swap3A, %swap3A_122, %swap3A_123] : memref<1x256x3xf32, #tpu.memory_space<vmem>>, vector<1x256x3xf32>
    %swap3A_125 = vector.shape_cast %swap3A_124 : vector<1x256x3xf32> to vector<256x3xf32>
    %swap3A_126 = vector.shape_cast %select_n3A_121 : vector<256x3xf32> to vector<1x256x3xf32>
    tpu.vector_store %arg5[%swap3A, %swap3A_122, %swap3A_123], %swap3A_126 {strides = array<i32>} : memref<1x256x3xf32, #tpu.memory_space<vmem>>, vector<1x256x3xf32>,
    return
  }
  func.func @transform_0(%arg0: i32, %arg1: i32) -> (i32, i32, i32) {
    %c0_i32 = arith.constant 0 : i32
    %c0_i32_0 = arith.constant 0 : i32
    %c0_i32_1 = arith.constant 0 : i32
    return %arg0, %c0_i32, %c0_i32_0 : i32, i32, i32
  }
  func.func @transform_1(%arg0: i32, %arg1: i32) -> (i32, i32, i32) {
    %c0_i32 = arith.constant 0 : i32
    %c0_i32_0 = arith.constant 0 : i32
    %c0_i32_1 = arith.constant 0 : i32
    return %arg0, %c0_i32, %c0_i32_0 : i32, i32, i32
  }
  func.func @transform_2(%arg0: i32, %arg1: i32) -> (i32, i32, i32) {
    %c0_i32 = arith.constant 0 : i32
    %c0_i32_0 = arith.constant 0 : i32
    return %arg0, %arg1, %c0_i32 : i32, i32, i32
  }
  func.func @transform_3(%arg0: i32, %arg1: i32) -> (i32, i32, i32) {
    %c0_i32 = arith.constant 0 : i32
    %c0_i32_0 = arith.constant 0 : i32
    return %arg0, %arg1, %c0_i32 : i32, i32, i32
  }
}

</mosaic_0001>

<sc_bundles>
// kernel: gather_offload_async_start
scs
__scs_entry_jumppad:
0x0: {  	(pc) =	sbr.rel $0x88, $3  }
0x1: {  	(tag) =	ssettag $0x0;
	lr =	simm.s32 $0x1  }
0x2: {  	[smem:$0x3F8F] =	sst lr;
	_ =	strace $0xD0000000  }
0x3: {  	_ = 	snop  }
0x4: {  	_ = 	snop  }
0x5: {  	_ = 	snop  }
0x6: {  	_ = 	snop  }
0x7: {  	_ = 	snop  }
__scs_overlays_trampoline_lowered:
0x8: {  	[smem:$0x3F9E] =	sst s0  }
0x9: {  	[smem:$0x3F9F] =	sst s1  }
0xa: {  	[smem:$0x3FA0] =	sst s2  }
0xb: {  	[smem:$0x3FA1] =	sst s3  }
0xc: {  	[smem:$0x3FA2] =	sst s4  }
0xd: {  	[smem:$0x3FA3] =	sst s5  }
0xe: {  	[smem:$0x3FA4] =	sst s6  }
0xf: {  	[smem:$0x3FA5] =	sst s7  }
0x10: {  	[smem:$0x3FA6] =	sst s8  }
0x11: {  	[smem:$0x3FA7] =	sst s9;
	s0 =	simm.s32 @!p0 $0x0  }
0x12: {  	s1 =	sld [smem:$0x3F8D];
	s0 =	simm.s32 @p0 $0x1  }
0x13: {  	[smem:$0x3FA8] =	sst s0;
	s0 =	simm.s32 @!p1 $0x0  }
0x14: {  	s2 =	sld [smem:$0x3F8C];
	s0 =	simm.s32 @p1 $0x1  }
0x15: {  	[smem:$0x3FA9] =	sst s0;
	s0 =	simm.s32 @!p2 $0x0  }
0x16: {  	s3 =	sld [smem:$0x3FDB];
	s0 =	simm.s32 @p2 $0x1  }
0x17: {  	s4 =	simm.s32 $0x1BF5;
	[smem:$0x3FAB] =	sst s0  }
0x18: {  	s0 =	sld [smem:$0x3F8E];
	_ =	swait.ge [sflag:s4], $0x0  }
0x19: {  	s7 =	sld [smem:$0x3F8F]  }
0x1a: {  	s8 =	sadd.s32 $0xFFFFE003, lr  }
0x1b: {  	s9 =	sadd.s32 $0xFFFFFEF7, lr;
	s5 =	simm.s32 $0xFFFFFFFF;
	p2 =	slt.u32 s8, $0xFFFFF086  }
0x1c: {  	p1 =	slt.u32 s9, $0xF7A;
	s5 =	simm.s32 @!p2 $0x0  }
0x1d: {  	s5 =	simm.s32 @p1 $0x1;
	p0 =	seq.s32 s7, s2  }
0x1e: {  	s7 =	smul.u32 @!p0 $0xF7A, s2;
	p2 =	seq.s32 @!p0 s5, $0x0  }
0x1f: {  	s9 =	smul.u32 $0xF7A, s1;
	s8 =	simm.s32 @!p0 $0x1BF5;
	p2 =	por !p2, p0  }
0x20: {  	[sflag:s8] =	ssyncset.s32 @!p0 $0xFFFFF086;
	s6 =	sadd.s32 @!p0 s3, s7;
	s7 =	simm.s32 @!p0 $0x108  }
0x21: {  	s3 =	sadd.s32 s3, s9;
	s6 =	sadd.s32 @!p0 $0x88, s6;
	s7 =	simm.s32 @p2 $0x1082  }
0x22: {  	[simem:s7], [sflag:s8] =	dma.local @!p0 [hbm:s6], $0xF7A  }
0x23: {  	s9 =	sor.u32 $0xD0000000, s2;
	s6 =	simm.s32 $0x108;
	_ =	swait.ge @!p0 [sflag:s8], $0x0  }
0x24: {  	s3 =	sadd.s32 $0x88, s3;
	s6 =	simm.s32 @!p1 $0x1082;
	[sflag:s4] =	ssyncset.s32 $0xFFFFF086  }
0x25: {  	[simem:s6], [sflag:s4] =	dma.local [hbm:s3], $0xF7A  }
0x26: {  	[smem:$0x3F8F] =	sst s1;
	(tag) =	ssettag s2;
	_ =	strace s9  }
0x27: {  	s1 =	sld [smem:$0x3F9F]  }
0x28: {  	s2 =	sld [smem:$0x3FA0]  }
0x29: {  	s4 =	sld [smem:$0x3FA2]  }
0x2a: {  	p0 =	seq.s32 s5, $0x0;
	s5 =	sld [smem:$0x3FA3]  }
0x2b: {  	s6 =	sld [smem:$0x3FA4]  }
0x2c: {  	s7 =	sld [smem:$0x3FA5]  }
0x2d: {  	s3 =	simm.s32 $0x108;
	s8 =	sld [smem:$0x3FA6]  }
0x2e: {  	s3 =	simm.s32 @!p0 $0x1082;
	s9 =	sld [smem:$0x3FA7]  }
0x2f: {  	lr =	sadd.s32 s0, s3;
	s0 =	sld [smem:$0x3F9E]  }
0x30: {  	s3 =	sld [smem:$0x3FA1]  }
0x31: {  	[smem:$0x3FAA] =	sst s10  }
0x32: {  	s10 =	sld [smem:$0x3FA8];
	_ =	sdelay $0x3  }
0x33: {  	p0 =	seq.s32 s10, $0x1;
	s10 =	sld [smem:$0x3FAA];
	_ =	sdelay $0x3  }
0x34: {  	[smem:$0x3FAA] =	sst s10  }
0x35: {  	s10 =	sld [smem:$0x3FA9];
	_ =	sdelay $0x3  }
0x36: {  	p1 =	seq.s32 s10, $0x1;
	s10 =	sld [smem:$0x3FAA];
	_ =	sdelay $0x3  }
0x37: {  	[smem:$0x3FAA] =	sst s10  }
0x38: {  	s10 =	sld [smem:$0x3FAB]  }
0x39: {  	_ = 	snop;
	(pc) =	sbr.ind lr, $3  }
0x3a: {  	_ = 	snop  }
0x3b: {  	_ = 	snop  }
0x3c: {  	p2 =	seq.s32 s10, $0x1;
	s10 =	sld [smem:$0x3FAA]  }
0x3d: {  	_ =	shalt  }
0x3e: {  	_ =	shalt  }
0x3f: {  	_ =	shalt  }
0x40: {  	_ =	shalt  }
0x41: {  	_ =	shalt  }
0x42: {  	_ =	shalt  }
0x43: {  	_ =	shalt  }
0x44: {  	_ =	shalt  }
0x45: {  	_ =	shalt  }
0x46: {  	_ =	shalt  }
0x47: {  	_ =	shalt  }
0x48: {  	_ =	shalt  }
0x49: {  	_ =	shalt  }
0x4a: {  	_ =	shalt  }
0x4b: {  	_ =	shalt  }
0x4c: {  	_ =	shalt  }
0x4d: {  	_ =	shalt  }
0x4e: {  	_ =	shalt  }
0x4f: {  	_ =	shalt  }
0x50: {  	_ =	shalt  }
0x51: {  	_ =	shalt  }
0x52: {  	_ =	shalt  }
0x53: {  	_ =	shalt  }
0x54: {  	_ =	shalt  }
0x55: {  	_ =	shalt  }
0x56: {  	_ =	shalt  }
0x57: {  	_ =	shalt  }
0x58: {  	_ =	shalt  }
0x59: {  	_ =	shalt  }
0x5a: {  	_ =	shalt  }
0x5b: {  	_ =	shalt  }
0x5c: {  	_ =	shalt  }
0x5d: {  	_ =	shalt  }
0x5e: {  	_ =	shalt  }
0x5f: {  	_ =	shalt  }
0x60: {  	_ =	shalt  }
0x61: {  	_ =	shalt  }
0x62: {  	_ =	shalt  }
0x63: {  	_ =	shalt  }
0x64: {  	_ =	shalt  }
0x65: {  	_ =	shalt  }
0x66: {  	_ =	shalt  }
0x67: {  	_ =	shalt  }
0x68: {  	_ =	shalt  }
0x69: {  	_ =	shalt  }
0x6a: {  	_ =	shalt  }
0x6b: {  	_ =	shalt  }
0x6c: {  	_ =	shalt  }
0x6d: {  	_ =	shalt  }
0x6e: {  	_ =	shalt  }
0x6f: {  	_ =	shalt  }
0x70: {  	_ =	shalt  }
0x71: {  	_ =	shalt  }
0x72: {  	_ =	shalt  }
0x73: {  	_ =	shalt  }
0x74: {  	_ =	shalt  }
0x75: {  	_ =	shalt  }
0x76: {  	_ =	shalt  }
0x77: {  	_ =	shalt  }
0x78: {  	_ =	shalt  }
0x79: {  	_ =	shalt  }
0x7a: {  	_ =	shalt  }
0x7b: {  	_ =	shalt  }
0x7c: {  	_ =	shalt  }
0x7d: {  	_ =	shalt  }
0x7e: {  	_ =	shalt  }
0x7f: {  	_ =	shalt  }
0x80: {  	_ =	shalt  }
0x81: {  	_ =	shalt  }
0x82: {  	_ =	shalt  }
0x83: {  	_ =	shalt  }
0x84: {  	_ =	shalt  }
0x85: {  	_ =	shalt  }
0x86: {  	_ =	shalt  }
0x87: {  	_ =	shalt  }
.Lfunc_end0:
.L_simem_size_0:
called_computation.1_lowered:
.L_overlay_start_0:
0x88: {  	s2 =	sld [smem:$0x3FD9]  }
0x89: {  	s3 =	sld [smem:$0x3FFE];
	_ =	sdelay $0x1  }
0x8a: {  	s1 =	srdreg.scid  }
0x8b: {  	s0 =	sand.u32 $0x1, s1  }
0x8c: {  	s14 =	sshll.u32 s0, $0xA;
	s2 =	sadd.s32 s3, s2  }
0x8d: {  	s2 =	sadd.s32 s2, s14  }
0x8e: {  	[smem:$0x3FB6] =	sst s2  }
0x8f: {  	_ = 	snop  }
0x90: {  	s2 =	sld [smem:$0x3FD0];
	_ =	sdelay $0x2  }
0x91: {  	s15 =	simm.s32 $0xA;
	s4 =	simm.s32 $0x10  }
0x92: {  	[smem:s4], [sflag:s15] =	dma.local [hbm:s2], $0x1  }
0x93: {  	_ =	swait.eq [sflag:s15], $0x1  }
0x94: {  	[sflag:s15] =	ssyncset.done $0x0  }
0x95: {  	[sflag:s15] =	ssyncadd.s32 $0xFFFFFFFF  }
0x96: {  	s16 =	sld [smem:$0x13];
	(tm) =	ssettm $0x1  }
0x97: {  	s17 =	sld [smem:$0x3FFB];
	_ =	sdelay $0x3  }
0x98: {  	_ =	strace s17  }
0x99: {  	s3 =	sld [smem:$0x3FFC];
	_ =	sdelay $0x3  }
0x9a: {  	_ =	strace s3  }
0x9b: {  	s3 =	sld [smem:$0x3FFD];
	_ =	sdelay $0x3  }
0x9c: {  	_ =	strace s3  }
0x9d: {  	_ =	strace $0x8FFFFFFF  }
0x9e: {  	s18 =	sld [smem:$0x3FDB];
	_ =	sdelay $0x1  }
0x9f: {  	s19 =	simm.s32 $_scs_section_size  }
0xa0: {  	s5 =	simm.s32 $_size__tile_overlayer_lowered;
	s6 =	simm.s32 $_tile_overlayer_lowered  }
0xa1: {  	s22 =	simm.s32 $0x1BFF;
	s21 =	sshll.u32 s6, $0x1;
	s3 =	sadd.s32 s19, s18  }
0xa2: {  	s7 =	simm.s32 $0x0;
	s20 =	sshll.u32 s5, $0x1;
	s5 =	sadd.s32 s21, s3  }
0xa3: {  	[timem:s7], [sflag:s22] =	dma.local [hbm:s5], s20  }
0xa4: {  	_ =	swait.ge [sflag:s22], s20  }
0xa5: {  	s4 =	ssub.s32 $0x0, s20;
	[sflag:s22] =	ssyncset.done $0x0  }
0xa6: {  	[sflag:s22] =	ssyncadd.s32 s4;
	_ =	sdelay $0x1  }
0xa7: {  	s23 =	simm.s32 $0x1B8B  }
0xa8: {  	_ =	swait.ge [sflag:s23], $0x1  }
0xa9: {  	[sflag:s23] =	ssyncset.done $0x0  }
0xaa: {  	s25 =	simm.s32 $0x1B8E;
	s24 =	sld [smem:$0x3FFE];
	[sflag:s23] =	ssyncadd.s32 $0xFFFFFFFF  }
0xab: {  	s26 =	simm.s32 $execute0_lowered;
	[smem:$0x3FD2] =	sst s25  }
0xac: {  	s5 =	sshll.u32 s26, $0x1;
	_ =	strace $0x80000049;
	[dreg:$0x1] =	wrdreg $0xFFFFFFFF  }
0xad: {  	s28 =	simm.s32 $_size_execute0_lowered;
	s3 =	sadd.s32 s3, s5;
	[dreg:$0x0] =	wrdreg $0x0  }
0xae: {  	s5 =	sshll.u32 s28, $0x1;
	[dreg:$0x2] =	wrdreg s3  }
0xaf: {  	[dreg:$0x3] =	wrdreg s5  }
0xb0: {  	[dreg:$0x4] =	wrdreg $0xC0  }
0xb1: {  	_ =	task [dreg:s7], $0x5FFFF  }
0xb2: {  	[dreg:$0x1] =	wrdreg $0xFFFFFFFF  }
0xb3: {  	[dreg:$0x0] =	wrdreg $0x60  }
0xb4: {  	[dreg:$0x2] =	wrdreg s24  }
0xb5: {  	[dreg:$0x3] =	wrdreg s16  }
0xb6: {  	[dreg:$0x4] =	wrdreg $0x9  }
0xb7: {  	_ =	task.clear_ibuf [dreg:s7], $0x5FFFF;
	_ =	strace $0x90000049  }
0xb8: {  	s29 =	simm.s32 $0x9;
	_ =	strace $0x8000004B  }
0xb9: {  	_ =	swait.ge [sflag:s29], $0x1  }
0xba: {  	[sflag:s29] =	ssyncadd.s32 $0xFFFFFFFF  }
0xbb: {  	_ =	strace $0x9000004B  }
0xbc: {  	_ =	sfence  }
0xbd: {  	s30 =	sld [smem:$0x0];
	_ =	sdelay $0x2  }
0xbe: {  	s31 =	sshll.u32 s1, $0xD;
	s1 =	sshrl.u32 s1, $0x2  }
0xbf: {  	s3 =	sand.u32 $0x4000, s31;
	s1 =	sadd.s32 s1, s30  }
0xc0: {  	s0 =	sor.u32 s3, s0;
	s1 =	sshll.u32 s1, $0x11  }
0xc1: {  	s0 =	sor.u32 s1, s0  }
0xc2: {  	s0 =	sadd.s32 $0x8F2B, s0  }
0xc3: {  	[sflag:s0] =	ssyncadd.remote.s32 $0x1  }
0xc4: {  	_ =	sfence.sel $0xFFFF  }
0xc5: {  	[dreg:$0x0] =	wrdreg $0xFFFFFFFF;
	(pc) =	sbr.abs _section_cstart, $3  }
0xc6: {  	[dreg:$0x1] =	wrdreg $0xFFFFFFFF  }
0xc7: {  	_ =	task.clear_ibuf [dreg:s7], $0x2FFFF;
	_ =	strace $0x9FFFFFFF  }
0xc8: {  	(tm) =	ssettm $0x7FFFFFFF  }
0xc9: {  	_ =	shalt  }
tec
execute0_lowered:
.L_overlay_start_1:
0x0: {  	(tag) =	ssettag $0x1  }
0x1: {  	s7 =	rddreg [dreg:$0x0]  }
0x2: {  	s0 =	srdreg.scid;
	s2 =	rddreg [dreg:$0x1]  }
0x3: {  	s1 =	stileid.u32;
	s5 =	simm.s32 $0x2;
	s9 =	simm.s32 $0x3  }
0x4: {  	s3 =	sshll.u32 s0, $0x4;
	s0 =	rddreg [dreg:$0x2];
	_ =	strace $0x8000004A  }
.Ltmp0:
0x5: {  	s4 =	sand.u32 $0x10, s3;
	s3 =	simm.s32 $0x1;
	(pc) =	sbr.rel .LBB2_1-.Ltmp0, $4  }
0x6: {  	s12 =	simm.s32 $0x0;
	s4 =	sor.u32 s1, s4;
	[sflag:s3] =	ssyncpa.u1 $0x0  }
0x7: {  	s10 =	simm.s32 $0x0;
	s4 =	smul.u32 $0x70, s4;
	[sflag:s5] =	ssyncpa.u1 $0x0  }
0x8: {  	s6 =	sadd.s32 $0xCE200, s7;
	s7 =	sadd.s32 $0x2000, s7;
	[sflag:s9] =	ssyncpa.u1 $0x0  }
0x9: {  	vm0 =	vmmov $0xffff;
	s9 =	simm.s32 $0x70;
	s8 =	sadd.s32 $0x70, s4;
	s11 =	smov.u32 s4  }
.LBB2_10:
0xa: {  	s12 =	sshrl.u32 s11, $0x3  }
0xb: {  	s13 =	sand.u32 $0x7, s11;
	s12 =	sadd.s32 s2, s12  }
0xc: {  	[tilespmem:s9], [sflag:$0x2] =	stream.linear.gather [hbm4b:s12+s13], $0x70, $0x38;
	[tilespmem:$0x1C0E0] =	vst v63  }
.LBB2_8:
0xd: {  	s12 =	sadd.s32 $0x70, s11  }
0xe: {  	s13 =	smov.u32 s4;
	p0 =	slt.s32 s12, s8  }
0xf: {  	s13 =	smov.u32 @p0 s12  }
0x10: {  	s10 =	sadd.s32 $0x1, s10;
	s12 =	smov.u32 s11;
	s11 =	smov.u32 s13  }
.LBB2_1:
0x11: {  	p0 =	seq.s32 s10, $0x0  }
.Ltmp1:
0x12: {  	_ = 	snop;
	(pc) =	sbr.rel @p0 .LBB2_10-.Ltmp1, $1  }
0x13: {  	_ =	sdelay $0x3  }
0x14: {  	p0 =	seq.s32 s10, $0x1  }
.Ltmp2:
0x15: {  	_ = 	snop;
	(pc) =	sbr.rel @!p0 .LBB2_9-.Ltmp2, $1  }
0x16: {  	_ =	sdelay $0x3  }
0x17: {  	_ =	swait.ge [sflag:s5], $0x70  }
0x18: {  	[sflag:s5] =	ssyncset.done $0x0  }
0x19: {  	s13 =	simm.s32 $0x0;
	[sflag:s5] =	ssyncadd.s32 $0xFFFFFF90  }
0x1a: {  	v0 =	vld.msk [tilespmem:s13+$0x70 ss:$0x1], $0xffff;
	_ =	sdelay $0x4  }
0x1b: {  	vm1 =	vgt.s32 v0, $0x0  }
0x1c: {  	v0 =	vnsel vm1, $0x0, v0  }
0x1d: {  	v0 =	vmin.u32 v0, $0x3E7F  }
0x1e: {  	v0 =	vshll.u32 v0, $0x6;
	_ =	sdelay $0x3  }
0x1f: {  	s14 =	simm.s32 $0x10;
	s13 =	simm.s32 $0xE0E0  }
0x20: {  	[tilespmem:s13], [sflag:$0x1] =	stream.indirect_vreg.gather [hbm:s6], $0x200, v0, vm0, $0x38;
	[tilespmem:$0x1C0E0] =	vst v63  }
0x21: {  	v0 =	vld.msk [tilespmem:s14+$0x70 ss:$0x1], $0xffff;
	s14 =	simm.s32 $0x80  }
.LBB2_4:
0x22: {  	p0 =	sne.s32 s14, $0x180;
	_ =	sdelay $0x4  }
0x23: {  	vm1 =	vgt.s32 v0, $0x0  }
0x24: {  	v0 =	vnsel vm1, $0x0, v0  }
0x25: {  	v0 =	vmin.u32 v0, $0x3E7F  }
0x26: {  	v0 =	vshll.u32 v0, $0x6;
	_ =	sdelay $0x1  }
.Ltmp3:
0x27: {  	(pc) =	sbr.rel @p0 .LBB2_4-.Ltmp3, $4  }
0x28: {  	_ = 	snop  }
0x29: {  	s15 =	sshra.s32 s14, $0x2;
	s13 =	sadd.s32 $0x2000, s13  }
0x2a: {  	[tilespmem:s13], [sflag:$0x1] =	stream.indirect_vreg.gather [hbm:s6], $0x200, v0, vm0, $0x38;
	[tilespmem:$0x1C0E0] =	vst v63  }
0x2b: {  	s14 =	sadd.s32 $0x40, s14;
	v0 =	vld.msk [tilespmem:s15+$0x70 ss:$0x1], $0xffff  }
0x2c: {  	_ =	sdelay $0x3  }
0x2d: {  	vm1 =	vgt.s32 v0, $0x0  }
0x2e: {  	v0 =	vnsel vm1, $0x0, v0  }
0x2f: {  	v0 =	vmin.u32 v0, $0x3E7F  }
0x30: {  	v0 =	vshll.u32 v0, $0x6;
	_ =	sdelay $0x3  }
0x31: {  	s13 =	sadd.s32 $0x2000, s13  }
0x32: {  	[tilespmem:s13], [sflag:$0x1] =	stream.indirect_vreg.gather [hbm:s6], $0x200, v0, vm0, $0x38;
	[tilespmem:$0x1C0E0] =	vst v63  }
0x33: {  	s12 =	sshll.u32 s12, $0x6;
	s14 =	simm.s32 $0x40;
	_ =	swait.ge [sflag:s3], $0xE000  }
0x34: {  	s15 =	simm.s32 $0xE2E0;
	s12 =	sadd.s32 s12, s7;
	[sflag:s3] =	ssyncset.done $0x0  }
0x35: {  	s16 =	sadd.s32 $0x0, s12;
	s13 =	simm.s32 $0xE0E0;
	[sflag:s3] =	ssyncadd.s32 $0xFFFF2000  }
.LBB2_6:
0x36: {  	[hbm:s16] =	stream.linear.scatter [tilespmem:s13], [sflag:$0x3], $0x200, $0x38;
	[tilespmem:$0x1C0E0] =	vst v63  }
0x37: {  	s16 =	smov.u32 s14;
	s13 =	smov.u32 s15;
	p0 =	seq.s32 s14, $0x1BC0  }
.Ltmp4:
0x38: {  	s14 =	sadd.s32 $0x40, s14;
	(pc) =	sbr.rel @!p0 .LBB2_6-.Ltmp4, $2  }
0x39: {  	_ =	sdelay $0x2  }
0x3a: {  	s15 =	sadd.s32 $0x200, s15;
	s16 =	sadd.s32 s16, s12  }
.Ltmp5:
0x3b: {  	(pc) =	sbr.rel .LBB2_8-.Ltmp5, $2  }
0x3c: {  	_ =	sdelay $0x2  }
0x3d: {  	[hbm:s16] =	stream.linear.scatter [tilespmem:s13], [sflag:$0x3], $0x200, $0x38;
	[tilespmem:$0x1C0E0] =	vst v63  }
.LBB2_9:
0x3e: {  	s2 =	simm.s32 $0x3  }
0x3f: {  	_ =	swait.ge [sflag:s2], $0xE000  }
0x40: {  	[sflag:s2] =	ssyncset.done $0x0  }
0x41: {  	[sflag:s2] =	ssyncadd.s32 $0xFFFF2000  }
0x42: {  	_ =	sfence.sel $0x180000  }
0x43: {  	s3 =	simm.s32 $0x2;
	[bflag:$0x0] =	sbarrier.arrive $0xFFFF  }
0x44: {  	[sflag:s3] =	ssyncpa.u1 $0x1  }
0x45: {  	s31 =	simm.s32 $0x1;
	[sflag:s2] =	ssyncpa.u1 $0x1  }
0x46: {  	[sflag:s31] =	ssyncpa.u1 $0x1  }
0x47: {  	p0 =	sne.s32 s1, $0x0;
	_ =	strace $0x9000004A  }
0x48: {  	s0 =	sadd.s32 @!p0 $0x100000, s0;
	[bflag:$0x2] =	sbarrier.arrive $0xFFFF  }
0x49: {  	[sflag:s0] =	ssyncadd.tile.s32 @!p0 $0x1;
	_ =	shalt  }
.Lfunc_end2:
_tile_overlayer_lowered:
.L_overlay_start_2:
0x4a: {  	(tag) =	ssettag $0x2  }
0x4b: {  	s0 =	rddreg [dreg:$0x0];
	s2 =	stileid.u32  }
0x4c: {  	s1 =	rddreg [dreg:$0x1];
	p0 =	sne.s32 s2, $0x0  }
0x4d: {  	s3 =	rddreg [dreg:$0x2];
	[bflag:$0x3] =	sbarrier.arrive $0xFFFF;
	s2 =	simm.s32 @!p0 $0x1C01  }
0x4e: {  	[timem:s3], [sflag:s2] =	dma.local @!p0 [hbm:s0], s1  }
0x4f: {  	s0 =	simm.s32 @!p0 $0x1  }
0x50: {  	_ =	swait.ge @!p0 [sflag:s0], s1  }
0x51: {  	s1 =	ssub.s32 @!p0 $0x0, s1;
	[sflag:s0] =	ssyncset.done @!p0 $0x0  }
0x52: {  	[sflag:s0] =	ssyncadd.s32 @!p0 s1  }
0x53: {  	[bflag:$0x3] =	sbarrier.arrive $0xFFFF  }
0x54: {  	_ =	shalt  }

// kernel: scatter_offload_async_start
scs
__scs_entry_jumppad:
0x0: {  	(pc) =	sbr.rel $0x88, $3  }
0x1: {  	(tag) =	ssettag $0x0;
	lr =	simm.s32 $0x1  }
0x2: {  	[smem:$0x3F8F] =	sst lr;
	_ =	strace $0xD0000000  }
0x3: {  	_ = 	snop  }
0x4: {  	_ = 	snop  }
0x5: {  	_ = 	snop  }
0x6: {  	_ = 	snop  }
0x7: {  	_ = 	snop  }
__scs_overlays_trampoline_lowered:
0x8: {  	[smem:$0x3F9E] =	sst s0  }
0x9: {  	[smem:$0x3F9F] =	sst s1  }
0xa: {  	[smem:$0x3FA0] =	sst s2  }
0xb: {  	[smem:$0x3FA1] =	sst s3  }
0xc: {  	[smem:$0x3FA2] =	sst s4  }
0xd: {  	[smem:$0x3FA3] =	sst s5  }
0xe: {  	[smem:$0x3FA4] =	sst s6  }
0xf: {  	[smem:$0x3FA5] =	sst s7  }
0x10: {  	[smem:$0x3FA6] =	sst s8  }
0x11: {  	[smem:$0x3FA7] =	sst s9;
	s0 =	simm.s32 @!p0 $0x0  }
0x12: {  	s1 =	sld [smem:$0x3F8D];
	s0 =	simm.s32 @p0 $0x1  }
0x13: {  	[smem:$0x3FA8] =	sst s0;
	s0 =	simm.s32 @!p1 $0x0  }
0x14: {  	s2 =	sld [smem:$0x3F8C];
	s0 =	simm.s32 @p1 $0x1  }
0x15: {  	[smem:$0x3FA9] =	sst s0;
	s0 =	simm.s32 @!p2 $0x0  }
0x16: {  	s3 =	sld [smem:$0x3FDB];
	s0 =	simm.s32 @p2 $0x1  }
0x17: {  	s4 =	simm.s32 $0x1BF5;
	[smem:$0x3FAB] =	sst s0  }
0x18: {  	s0 =	sld [smem:$0x3F8E];
	_ =	swait.ge [sflag:s4], $0x0  }
0x19: {  	s7 =	sld [smem:$0x3F8F]  }
0x1a: {  	s8 =	sadd.s32 $0xFFFFE003, lr  }
0x1b: {  	s9 =	sadd.s32 $0xFFFFFEF7, lr;
	s5 =	simm.s32 $0xFFFFFFFF;
	p2 =	slt.u32 s8, $0xFFFFF086  }
0x1c: {  	p1 =	slt.u32 s9, $0xF7A;
	s5 =	simm.s32 @!p2 $0x0  }
0x1d: {  	s5 =	simm.s32 @p1 $0x1;
	p0 =	seq.s32 s7, s2  }
0x1e: {  	s7 =	smul.u32 @!p0 $0xF7A, s2;
	p2 =	seq.s32 @!p0 s5, $0x0  }
0x1f: {  	s9 =	smul.u32 $0xF7A, s1;
	s8 =	simm.s32 @!p0 $0x1BF5;
	p2 =	por !p2, p0  }
0x20: {  	[sflag:s8] =	ssyncset.s32 @!p0 $0xFFFFF086;
	s6 =	sadd.s32 @!p0 s3, s7;
	s7 =	simm.s32 @!p0 $0x108  }
0x21: {  	s3 =	sadd.s32 s3, s9;
	s6 =	sadd.s32 @!p0 $0x88, s6;
	s7 =	simm.s32 @p2 $0x1082  }
0x22: {  	[simem:s7], [sflag:s8] =	dma.local @!p0 [hbm:s6], $0xF7A  }
0x23: {  	s9 =	sor.u32 $0xD0000000, s2;
	s6 =	simm.s32 $0x108;
	_ =	swait.ge @!p0 [sflag:s8], $0x0  }
0x24: {  	s3 =	sadd.s32 $0x88, s3;
	s6 =	simm.s32 @!p1 $0x1082;
	[sflag:s4] =	ssyncset.s32 $0xFFFFF086  }
0x25: {  	[simem:s6], [sflag:s4] =	dma.local [hbm:s3], $0xF7A  }
0x26: {  	[smem:$0x3F8F] =	sst s1;
	(tag) =	ssettag s2;
	_ =	strace s9  }
0x27: {  	s1 =	sld [smem:$0x3F9F]  }
0x28: {  	s2 =	sld [smem:$0x3FA0]  }
0x29: {  	s4 =	sld [smem:$0x3FA2]  }
0x2a: {  	p0 =	seq.s32 s5, $0x0;
	s5 =	sld [smem:$0x3FA3]  }
0x2b: {  	s6 =	sld [smem:$0x3FA4]  }
0x2c: {  	s7 =	sld [smem:$0x3FA5]  }
0x2d: {  	s3 =	simm.s32 $0x108;
	s8 =	sld [smem:$0x3FA6]  }
0x2e: {  	s3 =	simm.s32 @!p0 $0x1082;
	s9 =	sld [smem:$0x3FA7]  }
0x2f: {  	lr =	sadd.s32 s0, s3;
	s0 =	sld [smem:$0x3F9E]  }
0x30: {  	s3 =	sld [smem:$0x3FA1]  }
0x31: {  	[smem:$0x3FAA] =	sst s10  }
0x32: {  	s10 =	sld [smem:$0x3FA8];
	_ =	sdelay $0x3  }
0x33: {  	p0 =	seq.s32 s10, $0x1;
	s10 =	sld [smem:$0x3FAA];
	_ =	sdelay $0x3  }
0x34: {  	[smem:$0x3FAA] =	sst s10  }
0x35: {  	s10 =	sld [smem:$0x3FA9];
	_ =	sdelay $0x3  }
0x36: {  	p1 =	seq.s32 s10, $0x1;
	s10 =	sld [smem:$0x3FAA];
	_ =	sdelay $0x3  }
0x37: {  	[smem:$0x3FAA] =	sst s10  }
0x38: {  	s10 =	sld [smem:$0x3FAB]  }
0x39: {  	_ = 	snop;
	(pc) =	sbr.ind lr, $3  }
0x3a: {  	_ = 	snop  }
0x3b: {  	_ = 	snop  }
0x3c: {  	p2 =	seq.s32 s10, $0x1;
	s10 =	sld [smem:$0x3FAA]  }
0x3d: {  	_ =	shalt  }
0x3e: {  	_ =	shalt  }
0x3f: {  	_ =	shalt  }
0x40: {  	_ =	shalt  }
0x41: {  	_ =	shalt  }
0x42: {  	_ =	shalt  }
0x43: {  	_ =	shalt  }
0x44: {  	_ =	shalt  }
0x45: {  	_ =	shalt  }
0x46: {  	_ =	shalt  }
0x47: {  	_ =	shalt  }
0x48: {  	_ =	shalt  }
0x49: {  	_ =	shalt  }
0x4a: {  	_ =	shalt  }
0x4b: {  	_ =	shalt  }
0x4c: {  	_ =	shalt  }
0x4d: {  	_ =	shalt  }
0x4e: {  	_ =	shalt  }
0x4f: {  	_ =	shalt  }
0x50: {  	_ =	shalt  }
0x51: {  	_ =	shalt  }
0x52: {  	_ =	shalt  }
0x53: {  	_ =	shalt  }
0x54: {  	_ =	shalt  }
0x55: {  	_ =	shalt  }
0x56: {  	_ =	shalt  }
0x57: {  	_ =	shalt  }
0x58: {  	_ =	shalt  }
0x59: {  	_ =	shalt  }
0x5a: {  	_ =	shalt  }
0x5b: {  	_ =	shalt  }
0x5c: {  	_ =	shalt  }
0x5d: {  	_ =	shalt  }
0x5e: {  	_ =	shalt  }
0x5f: {  	_ =	shalt  }
0x60: {  	_ =	shalt  }
0x61: {  	_ =	shalt  }
0x62: {  	_ =	shalt  }
0x63: {  	_ =	shalt  }
0x64: {  	_ =	shalt  }
0x65: {  	_ =	shalt  }
0x66: {  	_ =	shalt  }
0x67: {  	_ =	shalt  }
0x68: {  	_ =	shalt  }
0x69: {  	_ =	shalt  }
0x6a: {  	_ =	shalt  }
0x6b: {  	_ =	shalt  }
0x6c: {  	_ =	shalt  }
0x6d: {  	_ =	shalt  }
0x6e: {  	_ =	shalt  }
0x6f: {  	_ =	shalt  }
0x70: {  	_ =	shalt  }
0x71: {  	_ =	shalt  }
0x72: {  	_ =	shalt  }
0x73: {  	_ =	shalt  }
0x74: {  	_ =	shalt  }
0x75: {  	_ =	shalt  }
0x76: {  	_ =	shalt  }
0x77: {  	_ =	shalt  }
0x78: {  	_ =	shalt  }
0x79: {  	_ =	shalt  }
0x7a: {  	_ =	shalt  }
0x7b: {  	_ =	shalt  }
0x7c: {  	_ =	shalt  }
0x7d: {  	_ =	shalt  }
0x7e: {  	_ =	shalt  }
0x7f: {  	_ =	shalt  }
0x80: {  	_ =	shalt  }
0x81: {  	_ =	shalt  }
0x82: {  	_ =	shalt  }
0x83: {  	_ =	shalt  }
0x84: {  	_ =	shalt  }
0x85: {  	_ =	shalt  }
0x86: {  	_ =	shalt  }
0x87: {  	_ =	shalt  }
.Lfunc_end0:
.L_simem_size_0:
called_computation_lowered:
.L_overlay_start_0:
0x88: {  	s0 =	sld [smem:$0x3FD9]  }
0x89: {  	s1 =	sld [smem:$0x3FFE];
	_ =	sdelay $0x3  }
0x8a: {  	s0 =	sadd.s32 s1, s0  }
0x8b: {  	[smem:$0x3FB6] =	sst s0  }
0x8c: {  	_ = 	snop  }
0x8d: {  	s0 =	sld [smem:$0x3FD0];
	_ =	sdelay $0x2  }
0x8e: {  	s13 =	simm.s32 $0xA;
	s2 =	simm.s32 $0x10  }
0x8f: {  	[smem:s2], [sflag:s13] =	dma.local [hbm:s0], $0x1  }
0x90: {  	_ =	swait.eq [sflag:s13], $0x1  }
0x91: {  	[sflag:s13] =	ssyncset.done $0x0  }
0x92: {  	[sflag:s13] =	ssyncadd.s32 $0xFFFFFFFF  }
0x93: {  	s14 =	sld [smem:$0x13];
	(tm) =	ssettm $0x1  }
0x94: {  	s15 =	sld [smem:$0x3FFB];
	_ =	sdelay $0x3  }
0x95: {  	_ =	strace s15  }
0x96: {  	s1 =	sld [smem:$0x3FFC];
	_ =	sdelay $0x3  }
0x97: {  	_ =	strace s1  }
0x98: {  	s1 =	sld [smem:$0x3FFD];
	_ =	sdelay $0x3  }
0x99: {  	_ =	strace s1  }
0x9a: {  	_ =	strace $0x8FFFFFFF  }
0x9b: {  	s16 =	sld [smem:$0x3FDB];
	_ =	sdelay $0x1  }
0x9c: {  	s17 =	simm.s32 $_scs_section_size  }
0x9d: {  	s3 =	simm.s32 $_size__tile_overlayer_lowered;
	s4 =	simm.s32 $_tile_overlayer_lowered  }
0x9e: {  	s20 =	simm.s32 $0x1BFF;
	s19 =	sshll.u32 s4, $0x1;
	s1 =	sadd.s32 s17, s16  }
0x9f: {  	s5 =	simm.s32 $0x0;
	s18 =	sshll.u32 s3, $0x1;
	s3 =	sadd.s32 s19, s1  }
0xa0: {  	[timem:s5], [sflag:s20] =	dma.local [hbm:s3], s18  }
0xa1: {  	_ =	swait.ge [sflag:s20], s18  }
0xa2: {  	s2 =	ssub.s32 $0x0, s18;
	[sflag:s20] =	ssyncset.done $0x0  }
0xa3: {  	[sflag:s20] =	ssyncadd.s32 s2;
	_ =	sdelay $0x1  }
0xa4: {  	s21 =	simm.s32 $0x1B8B  }
0xa5: {  	_ =	swait.ge [sflag:s21], $0x1  }
0xa6: {  	[sflag:s21] =	ssyncset.done $0x0  }
0xa7: {  	s23 =	simm.s32 $0x1B8E;
	s22 =	sld [smem:$0x3FFE];
	[sflag:s21] =	ssyncadd.s32 $0xFFFFFFFF  }
0xa8: {  	s24 =	simm.s32 $execute0_lowered;
	[smem:$0x3FD2] =	sst s23  }
0xa9: {  	s3 =	sshll.u32 s24, $0x1;
	_ =	strace $0x80000046;
	[dreg:$0x1] =	wrdreg $0xFFFFFFFF  }
0xaa: {  	s25 =	simm.s32 $_size_execute0_lowered;
	s1 =	sadd.s32 s1, s3;
	[dreg:$0x0] =	wrdreg $0x0  }
0xab: {  	s3 =	sshll.u32 s25, $0x1;
	[dreg:$0x2] =	wrdreg s1  }
0xac: {  	[dreg:$0x3] =	wrdreg s3  }
0xad: {  	[dreg:$0x4] =	wrdreg $0xC0  }
0xae: {  	_ =	task [dreg:s5], $0x5FFFF  }
0xaf: {  	[dreg:$0x1] =	wrdreg $0xFFFFFFFF  }
0xb0: {  	[dreg:$0x0] =	wrdreg $0x60  }
0xb1: {  	[dreg:$0x2] =	wrdreg s14  }
0xb2: {  	[dreg:$0x3] =	wrdreg s22  }
0xb3: {  	[dreg:$0x4] =	wrdreg $0x9  }
0xb4: {  	_ =	task.clear_ibuf [dreg:s5], $0x5FFFF;
	_ =	strace $0x90000046  }
0xb5: {  	s26 =	simm.s32 $0x9;
	_ =	strace $0x80000048  }
0xb6: {  	_ =	swait.ge [sflag:s26], $0x1  }
0xb7: {  	[sflag:s26] =	ssyncadd.s32 $0xFFFFFFFF  }
0xb8: {  	_ =	strace $0x90000048  }
0xb9: {  	_ =	sfence  }
0xba: {  	s28 =	sld [smem:$0x0];
	_ =	sdelay $0x1  }
0xbb: {  	s29 =	srdreg.scid  }
0xbc: {  	s30 =	sshll.u32 s29, $0xD;
	s31 =	sshrl.u32 s29, $0x2  }
0xbd: {  	s2 =	sand.u32 $0x4000, s30;
	s1 =	sand.u32 $0x1, s29;
	s0 =	sadd.s32 s31, s28  }
0xbe: {  	s1 =	sor.u32 s2, s1;
	s0 =	sshll.u32 s0, $0x11  }
0xbf: {  	s0 =	sor.u32 s0, s1  }
0xc0: {  	s0 =	sadd.s32 $0x8F2B, s0  }
0xc1: {  	[sflag:s0] =	ssyncadd.remote.s32 $0x1  }
0xc2: {  	_ =	sfence.sel $0xFFFF  }
0xc3: {  	[dreg:$0x0] =	wrdreg $0xFFFFFFFF;
	(pc) =	sbr.abs _section_cstart, $3  }
0xc4: {  	[dreg:$0x1] =	wrdreg $0xFFFFFFFF  }
0xc5: {  	_ =	task.clear_ibuf [dreg:s5], $0x2FFFF;
	_ =	strace $0x9FFFFFFF  }
0xc6: {  	(tm) =	ssettm $0x7FFFFFFF  }
0xc7: {  	_ =	shalt  }
tec
execute0_lowered:
.L_overlay_start_1:
0x0: {  	(tag) =	ssettag $0x1  }
0x1: {  	s1 =	rddreg [dreg:$0x0]  }
0x2: {  	s7 =	rddreg [dreg:$0x1]  }
0x3: {  	s0 =	rddreg [dreg:$0x2]  }
0x4: {  	s3 =	stileid.u32;
	_ =	strace $0x80000047;
	s4 =	simm.s32 $0x3E  }
0x5: {  	p0 =	sne.s32 s3, $0x0;
	[sflag:s4] =	ssyncpa.u1 $0x0  }
0x6: {  	s30 =	smin.u32 s3, $0x4;
	s2 =	simm.s32 @!p0 $0x1C3E;
	s5 =	simm.s32 @!p0 $0x0  }
0x7: {  	[spmem:s5], [sflag:s2] =	dma.local @!p0 [hbm:s1], $0x200  }
0x8: {  	s2 =	sadd.s32 s3, s30  }
0x9: {  	p1 =	slt.u32 s3, $0x4;
	s3 =	simm.s32 $0x640;
	s2 =	smul.u32 $0x320, s2  }
0xa: {  	s3 =	simm.s32 @!p1 $0x320  }
0xb: {  	s3 =	sadd.s32 s3, s2  }
0xc: {  	s3 =	smin.u32 s3, $0x3E80  }
0xd: {  	s8 =	ssub.s32 s3, s2  }
0xe: {  	p1 =	sgt.s32 s8, $0x0  }
0xf: {  	s8 =	simm.s32 @!p1 $0x0  }
0x10: {  	s6 =	sand.u32 $0xFFE0, s8  }
0x11: {  	s5 =	simm.s32 @!p0 $0x3E;
	s6 =	sshrl.u32 s6, $0x5  }
0x12: {  	_ =	swait.ge @!p0 [sflag:s5], $0x200;
	s31 =	smul.u32 $0xA3E, s6  }
0x13: {  	[sflag:s5] =	ssyncset.done @!p0 $0x0  }
0x14: {  	[sflag:s5] =	ssyncadd.s32 @!p0 $0xFFFFFE00;
	s9 =	sshrl.u32 s31, $0x10  }
0x15: {  	s11 =	simm.s32 $0x0;
	[bflag:$0x0] =	sbarrier.arrive $0xFFFF;
	s10 =	smul.u32 $0x320, s9  }
.Ltmp0:
0x16: {  	[sflag:s4] =	ssyncpa.u1 $0x1;
	s4 =	simm.s32 $0x1;
	(pc) =	sbr.rel .LBB2_1-.Ltmp0, $4  }
0x17: {  	s5 =	sadd.s32 $0xBDA00, s7;
	s7 =	sadd.s32 $0x7F200, s7;
	[sflag:s4] =	ssyncpa.u1 $0x0  }
0x18: {  	s6 =	simm.s32 $0x2;
	p1 =	sne.s32 s8, s10;
	s8 =	simm.s32 $0x1  }
0x19: {  	(ifvalue) =	ssetifvalue $0x1000;
	[sflag:s6] =	ssyncpa.u1 $0x0;
	s8 =	simm.s32 @!p1 $0x0  }
0x1a: {  	vm0 =	vmmov $0xffff;
	s10 =	smov.u32 s2;
	s8 =	sadd.s32 s9, s8;
	s9 =	simm.s32 $0x0  }
.LBB2_5:
0x1b: {  	p2 =	sne.s32 s11, s8  }
.Ltmp1:
0x1c: {  	_ = 	snop;
	(pc) =	sbr.rel @!p2 .LBB2_6-.Ltmp1, $4  }
0x1d: {  	_ = 	snop  }
0x1e: {  	s12 =	sadd.s32 $0x320, s10  }
0x1f: {  	s10 =	smov.u32 s2;
	s13 =	sadd.s32 $0x1, s11;
	p1 =	slt.s32 s12, s3  }
0x20: {  	s11 =	smov.u32 s13;
	s10 =	smov.u32 @p1 s12  }
.LBB2_1:
0x21: {  	p1 =	sge.u32 s11, s8  }
0x22: {  	s12 =	sxor.u32 @!p1 $0xFFFFFFFF, s11  }
0x23: {  	s12 =	sand.u32 @!p1 $0x1, s12  }
0x24: {  	s12 =	smul.u32 @!p1 $0x320, s12  }
0x25: {  	s13 =	sshrl.u32 @!p1 s10, $0x3  }
0x26: {  	s16 =	sand.u32 @!p1 $0x7, s10;
	s14 =	sadd.s32 @!p1 s5, s13;
	s15 =	sadd.s32 @!p1 $0x100, s12  }
0x27: {  	[tilespmem:s15], [sflag:$0x2] =	stream.linear.gather @!p1 [hbm4b:s14+s16], $0x320, $0x38;
	[tilespmem:$0xD80] =	vst v63  }
0x28: {  	s13 =	sadd.s32 @!p1 s7, s13;
	s12 =	sadd.s32 @!p1 $0x740, s12  }
0x29: {  	[tilespmem:s12], [sflag:$0x2] =	stream.linear.gather @!p1 [hbm4b:s13+s16], $0x320, $0x38;
	[tilespmem:$0xD80] =	vst v63  }
0x2a: {  	p1 =	seq.s32 s11, $0x0  }
.Ltmp2:
0x2b: {  	_ = 	snop;
	(pc) =	sbr.rel @p1 .LBB2_5-.Ltmp2, $1  }
0x2c: {  	_ =	sdelay $0x3  }
0x2d: {  	s12 =	sand.u32 $0x1, s11  }
0x2e: {  	_ =	swait.ge [sflag:s6], $0x640;
	p1 =	seq.s32 s12, $0x1;
	s12 =	simm.s32 $0x320  }
0x2f: {  	[sflag:s6] =	ssyncset.done $0x0;
	s12 =	simm.s32 @!p1 $0x0  }
0x30: {  	[sflag:s6] =	ssyncadd.s32 $0xFFFFF9C0;
	s14 =	sadd.s32 $0x100, s12  }
0x31: {  	v0 =	vld.msk [tilespmem:s14+$0x0 ss:$0x1], $0xffff;
	_ =	sdelay $0x4  }
0x32: {  	v0 =	vmin.u32 v0, $0x1000;
	_ =	sdelay $0x3  }
0x33: {  	s13 =	simm.s32 $0x0;
	s12 =	sadd.s32 $0x740, s12;
	s14 =	sadd.s32 $0x10, s14  }
0x34: {  	[spmem:s9] =	stream.indirect_vreg.scatter.add.s32 [tilespmem:s12], [sflag:$0x1], $0x1, v0, vm0, $0x4038;
	[tilespmem:$0xD80] =	vst v63  }
.LBB2_3:
0x35: {  	v0 =	vld.msk [tilespmem:s14+$0x0 ss:$0x1], $0xffff;
	s13 =	sadd.s32 $0x10, s13  }
0x36: {  	p1 =	slt.u32 s13, $0x310;
	_ =	sdelay $0x4  }
0x37: {  	v0 =	vmin.u32 v0, $0x1000  }
.Ltmp3:
0x38: {  	(pc) =	sbr.rel @p1 .LBB2_3-.Ltmp3, $3  }
0x39: {  	_ =	sdelay $0x1  }
0x3a: {  	s14 =	sadd.s32 $0x10, s14;
	s12 =	sadd.s32 $0x10, s12  }
0x3b: {  	[spmem:s9] =	stream.indirect_vreg.scatter.add.s32 [tilespmem:s12], [sflag:$0x1], $0x1, v0, vm0, $0x4038;
	[tilespmem:$0xD80] =	vst v63  }
.Ltmp4:
0x3c: {  	(pc) =	sbr.rel .LBB2_5-.Ltmp4, $4  }
0x3d: {  	_ = 	snop  }
0x3e: {  	_ =	swait.ge [sflag:s4], $0x320  }
0x3f: {  	[sflag:s4] =	ssyncset.done $0x0  }
0x40: {  	[sflag:s4] =	ssyncadd.s32 $0xFFFFFCE0  }
.LBB2_6:
0x41: {  	_ =	sfence.sel $0x180000  }
0x42: {  	s2 =	simm.s32 $0x2;
	[bflag:$0x0] =	sbarrier.arrive $0xFFFF  }
0x43: {  	s30 =	simm.s32 $0x1;
	[sflag:s2] =	ssyncpa.u1 $0x1  }
0x44: {  	[sflag:s30] =	ssyncpa.u1 $0x1  }
0x45: {  	_ =	sfence.stream.spmem  }
0x46: {  	s31 =	simm.s32 $0x3D;
	[bflag:$0x0] =	sbarrier.arrive $0xFFFF  }
0x47: {  	s2 =	simm.s32 @p0 $0x3D;
	[sflag:s31] =	ssyncpa.u1 $0x0  }
0x48: {  	[sflag:s2] =	ssyncpa.u1 @p0 $0x1  }
0x49: {  	[bflag:$0x0] =	sbarrier.arrive @p0 $0xFFFF  }
0x4a: {  	_ =	strace @p0 $0x90000047  }
0x4b: {  	s3 =	simm.s32 @!p0 $0x1C3D;
	s2 =	simm.s32 @!p0 $0x0;
	[bflag:$0x2] =	sbarrier.arrive @p0 $0xFFFF  }
0x4c: {  	[hbm:s1], [sflag:s3] =	dma.local @!p0 [spmem:s2], $0x200  }
0x4d: {  	s1 =	simm.s32 @!p0 $0x3D  }
0x4e: {  	_ =	swait.ge @!p0 [sflag:s1], $0x200  }
0x4f: {  	[sflag:s1] =	ssyncset.done @!p0 $0x0  }
0x50: {  	[sflag:s1] =	ssyncadd.s32 @!p0 $0xFFFFFE00  }
0x51: {  	[sflag:s1] =	ssyncpa.u1 @!p0 $0x1  }
0x52: {  	[bflag:$0x0] =	sbarrier.arrive @!p0 $0xFFFF  }
0x53: {  	_ =	strace @!p0 $0x90000047  }
0x54: {  	s0 =	sadd.s32 @!p0 $0x100000, s0;
	[bflag:$0x2] =	sbarrier.arrive @!p0 $0xFFFF  }
0x55: {  	[sflag:s0] =	ssyncadd.tile.s32 @!p0 $0x1;
	_ =	shalt  }
.Lfunc_end2:
_tile_overlayer_lowered:
.L_overlay_start_2:
0x56: {  	(tag) =	ssettag $0x2  }
0x57: {  	s0 =	rddreg [dreg:$0x0];
	s2 =	stileid.u32  }
0x58: {  	s1 =	rddreg [dreg:$0x1];
	p0 =	sne.s32 s2, $0x0  }
0x59: {  	s3 =	rddreg [dreg:$0x2];
	[bflag:$0x3] =	sbarrier.arrive $0xFFFF;
	s2 =	simm.s32 @!p0 $0x1C01  }
0x5a: {  	[timem:s3], [sflag:s2] =	dma.local @!p0 [hbm:s0], s1  }
0x5b: {  	s0 =	simm.s32 @!p0 $0x1  }
0x5c: {  	_ =	swait.ge @!p0 [sflag:s0], s1  }
0x5d: {  	s1 =	ssub.s32 @!p0 $0x0, s1;
	[sflag:s0] =	ssyncset.done @!p0 $0x0  }
0x5e: {  	[sflag:s0] =	ssyncadd.s32 @!p0 s1  }
0x5f: {  	[bflag:$0x3] =	sbarrier.arrive $0xFFFF  }
0x60: {  	_ =	shalt  }

</sc_bundles>
